<compile_context>
chip_gen: v7x
topology: tpu7x:2x2x1
jax: 0.10.2.dev20260603
libtpu: 0.0.44.dev20260713+nightly
codegen_flags: <defaults>
</compile_context>

<pallas_src>
import functools

import jax
import jax.numpy as jnp
from jax import lax
from jax.experimental import pallas as pl
from jax.experimental.pallas import tpu as pltpu
from jax.experimental.pallas import tpu_sc as plsc

HIDDEN = 1024
B_TOTAL = 4 * 8192
NUM_WORKERS = 32
B_PER_W = B_TOTAL // NUM_WORKERS
CHUNK = 8
NCHUNK = B_PER_W // CHUNK
NBUF = 8
NGROUP = NCHUNK // NBUF

_mesh = plsc.VectorSubcoreMesh(core_axis_name="c", subcore_axis_name="s")


@functools.partial(
    pl.kernel,
    out_type=jax.ShapeDtypeStruct((B_TOTAL, HIDDEN), jnp.float32),
    mesh=_mesh,
    scratch_types=[
        pltpu.VMEM((B_PER_W,), jnp.int32),
        [pltpu.VMEM((CHUNK, HIDDEN), jnp.float32)] * NBUF,
        [pltpu.SemaphoreType.DMA] * NBUF,
        [pltpu.SemaphoreType.DMA] * NBUF,
    ],
)
def _gather_rows(idx_hbm, table_hbm, out_hbm, idx_v, bufs, gsems, wsems):
    wid = lax.axis_index("s") * 2 + lax.axis_index("c")
    base = wid * B_PER_W
    pltpu.sync_copy(idx_hbm.at[pl.ds(base, B_PER_W)], idx_v)

    def g_start(c, j):
        pltpu.async_copy(table_hbm.at[idx_v.at[pl.ds(c * CHUNK, CHUNK)]],
                         bufs[j], gsems[j])

    def g_wait(j):
        pltpu.make_async_copy(table_hbm.at[idx_v.at[pl.ds(0, CHUNK)]],
                              bufs[j], gsems[j]).wait()

    def w_start(c, j):
        pltpu.async_copy(bufs[j], out_hbm.at[pl.ds(base + c * CHUNK, CHUNK)],
                         wsems[j])

    def w_wait(j):
        pltpu.make_async_copy(bufs[j], out_hbm.at[pl.ds(base, CHUNK)],
                              wsems[j]).wait()

    for j in range(NBUF):
        g_start(j, j)

    def group(h, carry):
        c0 = h * NBUF
        for j in range(NBUF):
            g_wait(j)
            w_start(c0 + j, j)

        @pl.when(h < NGROUP - 1)
        def _():
            for j in range(NBUF):
                w_wait(j)
                g_start(c0 + NBUF + j, j)

        return carry

    lax.fori_loop(0, NGROUP, group, 0)
    for j in range(NBUF):
        w_wait(j)


def kernel(position_ids, pos_enc):
    idx = position_ids.reshape(B_TOTAL).astype(jnp.int32)
    out = _gather_rows(idx, pos_enc)
    return out.reshape(position_ids.shape + (HIDDEN,))

# --- scband reference (transcript-rebuilt; emitter-appended) ---
"""Pipeline reference for scband-fixed-positional-encoding-3143916060984 (READ-ONLY COPY).

The authoritative reference and input builder live on the scoring server;
editing this copy changes nothing except your own understanding.
"""

import math
import jax, jax.numpy as jnp
import numpy as np

HIDDEN_SIZE = 1024
MAX_SEQ_LEN = 8192
BATCH = 4
SEQ_LEN = 8192


def _build_pos_enc(hidden_size, max_sequence_length):
    pos_enc = np.zeros((max_sequence_length, hidden_size), dtype=np.float64)
    position = np.arange(0.0, max_sequence_length)[:, None]
    coef = -math.log(10000.0) / hidden_size
    div_term = np.exp(coef * np.arange(0.0, hidden_size, 2))
    pos_enc[:, 0::2] = np.sin(position * div_term)
    pos_enc[:, 1::2] = np.cos(position * div_term)
    pos_enc /= math.sqrt(hidden_size)
    return jnp.asarray(pos_enc, dtype=jnp.float32)


def setup_inputs(seed: int = 0) -> dict:
    key = jax.random.key(seed)
    position_ids = jax.random.randint(key, (BATCH, SEQ_LEN), 0, MAX_SEQ_LEN, dtype=jnp.int64 if jax.config.read('jax_enable_x64') else jnp.int32)
    pos_enc = _build_pos_enc(HIDDEN_SIZE, MAX_SEQ_LEN)
    return {"position_ids": position_ids, "pos_enc": pos_enc}


def reference(position_ids, pos_enc):
    # torch.embedding(pos_enc, position_ids) == gather rows of pos_enc
    embeddings = jnp.take(pos_enc, position_ids, axis=0)
    return embeddings

if __name__ == "__main__":
    import jax
    _d = setup_inputs()
    print(jax.jit(kernel)(*tuple(_d.values())))

</pallas_src>

<mosaic_0001>
#map = affine_map<(d0, d1) -> (0)>
#map1 = affine_map<(d0, d1) -> (0, 0)>
module attributes {stable_mosaic.version = 14 : i64} {
  func.func @_gather_rows(%arg0: i32, %arg1: i32, %arg2: memref<32768xi32, #tpu.memory_space<hbm>>, %arg3: memref<8192x1024xf32, #tpu.memory_space<hbm>>, %arg4: memref<32768x1024xf32, #tpu.memory_space<hbm>>, %arg5: memref<1024xi32, #tpu.memory_space<vmem>>, %arg6: memref<8x1024xf32, #tpu.memory_space<vmem>>, %arg7: memref<8x1024xf32, #tpu.memory_space<vmem>>, %arg8: memref<8x1024xf32, #tpu.memory_space<vmem>>, %arg9: memref<8x1024xf32, #tpu.memory_space<vmem>>, %arg10: memref<8x1024xf32, #tpu.memory_space<vmem>>, %arg11: memref<8x1024xf32, #tpu.memory_space<vmem>>, %arg12: memref<8x1024xf32, #tpu.memory_space<vmem>>, %arg13: memref<8x1024xf32, #tpu.memory_space<vmem>>, %arg14: memref<!tpu.dma_semaphore, #tpu.memory_space<semaphore_mem>>, %arg15: memref<!tpu.dma_semaphore, #tpu.memory_space<semaphore_mem>>, %arg16: memref<!tpu.dma_semaphore, #tpu.memory_space<semaphore_mem>>, %arg17: memref<!tpu.dma_semaphore, #tpu.memory_space<semaphore_mem>>, %arg18: memref<!tpu.dma_semaphore, #tpu.memory_space<semaphore_mem>>, %arg19: memref<!tpu.dma_semaphore, #tpu.memory_space<semaphore_mem>>, %arg20: memref<!tpu.dma_semaphore, #tpu.memory_space<semaphore_mem>>, %arg21: memref<!tpu.dma_semaphore, #tpu.memory_space<semaphore_mem>>, %arg22: memref<!tpu.dma_semaphore, #tpu.memory_space<semaphore_mem>>, %arg23: memref<!tpu.dma_semaphore, #tpu.memory_space<semaphore_mem>>, %arg24: memref<!tpu.dma_semaphore, #tpu.memory_space<semaphore_mem>>, %arg25: memref<!tpu.dma_semaphore, #tpu.memory_space<semaphore_mem>>, %arg26: memref<!tpu.dma_semaphore, #tpu.memory_space<semaphore_mem>>, %arg27: memref<!tpu.dma_semaphore, #tpu.memory_space<semaphore_mem>>, %arg28: memref<!tpu.dma_semaphore, #tpu.memory_space<semaphore_mem>>, %arg29: memref<!tpu.dma_semaphore, #tpu.memory_space<semaphore_mem>>) attributes {dimension_semantics = [#tpu.dimension_semantics<core_parallel>, #tpu.dimension_semantics<subcore_parallel>], iteration_bounds = array<i64: 2, 16>, scalar_prefetch = 0 : i64, scratch_operands = 25 : i64, tpu.core_type = #tpu.core_type<sc_vector_subcore>, window_params = [{transform_indices = #map}, {transform_indices = #map1}, {transform_indices = #map1}]} {
    %mul3A = arith.constant 2 : i32
    %mul3A_0 = arith.muli %arg1, %mul3A : i32
    %add3A = arith.addi %mul3A_0, %arg0 : i32
    %mul3A_1 = arith.constant 1024 : i32
    %mul3A_2 = arith.muli %add3A, %mul3A_1 : i32
    "tpu.region"() ({
      %run_scoped3A = tpu.sem_alloc : memref<!tpu.dma_semaphore, #tpu.memory_space<semaphore_mem>>
      %dma_start3A_78 = tpu.memref_slice %arg2[%mul3A_2] : memref<32768xi32, #tpu.memory_space<hbm>> -> memref<1024xi32, #tpu.memory_space<hbm>>
      %dma_start3A_79 = tpu.memref_slice %arg2[%mul3A_2] : memref<32768xi32, #tpu.memory_space<hbm>> -> memref<1024xi32, #tpu.memory_space<hbm>>
      tpu.enqueue_dma source(%dma_start3A_79 : memref<1024xi32, #tpu.memory_space<hbm>>) target(%arg5 : memref<1024xi32, #tpu.memory_space<vmem>>) target_semaphore(%run_scoped3A : memref<!tpu.dma_semaphore, #tpu.memory_space<semaphore_mem>>)
      %dma_wait3A_80 = tpu.memref_slice %arg2[%mul3A_2] : memref<32768xi32, #tpu.memory_space<hbm>> -> memref<1024xi32, #tpu.memory_space<hbm>>
      %dma_wait3A_81 = tpu.memref_slice %arg2[%mul3A_2] : memref<32768xi32, #tpu.memory_space<hbm>> -> memref<1024xi32, #tpu.memory_space<hbm>>
      tpu.wait_dma2 semaphore(%run_scoped3A : memref<!tpu.dma_semaphore, #tpu.memory_space<semaphore_mem>>) src(%dma_wait3A_81 : memref<1024xi32, #tpu.memory_space<hbm>>) dst(%arg5 : memref<1024xi32, #tpu.memory_space<vmem>>)
      tpu.yield
    }) : () -> ()
    %dma_start3A = arith.constant 0 : i32
    %dma_start3A_3 = tpu.memref_slice %arg5[%dma_start3A] : memref<1024xi32, #tpu.memory_space<vmem>> -> memref<8xi32, #tpu.memory_space<vmem>>
    %dma_start3A_4 = arith.constant 0 : i32
    %dma_start3A_5 = arith.constant 0 : i32
    %dma_start3A_6 = tpu.memref_slice %arg3[%dma_start3A_4, %dma_start3A_5] : memref<8192x1024xf32, #tpu.memory_space<hbm>> -> memref<8192x1024xf32, #tpu.memory_space<hbm>>
    tpu.enqueue_indirect_dma source(%dma_start3A_6 : memref<8192x1024xf32, #tpu.memory_space<hbm>>) target(%arg6 : memref<8x1024xf32, #tpu.memory_space<vmem>>) offsets(%dma_start3A_3 : memref<8xi32, #tpu.memory_space<vmem>>) semaphore(%arg14 : memref<!tpu.dma_semaphore, #tpu.memory_space<semaphore_mem>>)
    %dma_start3A_7 = arith.constant 8 : i32
    %dma_start3A_8 = tpu.memref_slice %arg5[%dma_start3A_7] : memref<1024xi32, #tpu.memory_space<vmem>> -> memref<8xi32, #tpu.memory_space<vmem>>
    %dma_start3A_9 = arith.constant 0 : i32
    %dma_start3A_10 = arith.constant 0 : i32
    %dma_start3A_11 = tpu.memref_slice %arg3[%dma_start3A_9, %dma_start3A_10] : memref<8192x1024xf32, #tpu.memory_space<hbm>> -> memref<8192x1024xf32, #tpu.memory_space<hbm>>
    tpu.enqueue_indirect_dma source(%dma_start3A_11 : memref<8192x1024xf32, #tpu.memory_space<hbm>>) target(%arg7 : memref<8x1024xf32, #tpu.memory_space<vmem>>) offsets(%dma_start3A_8 : memref<8xi32, #tpu.memory_space<vmem>>) semaphore(%arg15 : memref<!tpu.dma_semaphore, #tpu.memory_space<semaphore_mem>>)
    %dma_start3A_12 = arith.constant 16 : i32
    %dma_start3A_13 = tpu.memref_slice %arg5[%dma_start3A_12] : memref<1024xi32, #tpu.memory_space<vmem>> -> memref<8xi32, #tpu.memory_space<vmem>>
    %dma_start3A_14 = arith.constant 0 : i32
    %dma_start3A_15 = arith.constant 0 : i32
    %dma_start3A_16 = tpu.memref_slice %arg3[%dma_start3A_14, %dma_start3A_15] : memref<8192x1024xf32, #tpu.memory_space<hbm>> -> memref<8192x1024xf32, #tpu.memory_space<hbm>>
    tpu.enqueue_indirect_dma source(%dma_start3A_16 : memref<8192x1024xf32, #tpu.memory_space<hbm>>) target(%arg8 : memref<8x1024xf32, #tpu.memory_space<vmem>>) offsets(%dma_start3A_13 : memref<8xi32, #tpu.memory_space<vmem>>) semaphore(%arg16 : memref<!tpu.dma_semaphore, #tpu.memory_space<semaphore_mem>>)
    %dma_start3A_17 = arith.constant 24 : i32
    %dma_start3A_18 = tpu.memref_slice %arg5[%dma_start3A_17] : memref<1024xi32, #tpu.memory_space<vmem>> -> memref<8xi32, #tpu.memory_space<vmem>>
    %dma_start3A_19 = arith.constant 0 : i32
    %dma_start3A_20 = arith.constant 0 : i32
    %dma_start3A_21 = tpu.memref_slice %arg3[%dma_start3A_19, %dma_start3A_20] : memref<8192x1024xf32, #tpu.memory_space<hbm>> -> memref<8192x1024xf32, #tpu.memory_space<hbm>>
    tpu.enqueue_indirect_dma source(%dma_start3A_21 : memref<8192x1024xf32, #tpu.memory_space<hbm>>) target(%arg9 : memref<8x1024xf32, #tpu.memory_space<vmem>>) offsets(%dma_start3A_18 : memref<8xi32, #tpu.memory_space<vmem>>) semaphore(%arg17 : memref<!tpu.dma_semaphore, #tpu.memory_space<semaphore_mem>>)
    %dma_start3A_22 = arith.constant 32 : i32
    %dma_start3A_23 = tpu.memref_slice %arg5[%dma_start3A_22] : memref<1024xi32, #tpu.memory_space<vmem>> -> memref<8xi32, #tpu.memory_space<vmem>>
    %dma_start3A_24 = arith.constant 0 : i32
    %dma_start3A_25 = arith.constant 0 : i32
    %dma_start3A_26 = tpu.memref_slice %arg3[%dma_start3A_24, %dma_start3A_25] : memref<8192x1024xf32, #tpu.memory_space<hbm>> -> memref<8192x1024xf32, #tpu.memory_space<hbm>>
    tpu.enqueue_indirect_dma source(%dma_start3A_26 : memref<8192x1024xf32, #tpu.memory_space<hbm>>) target(%arg10 : memref<8x1024xf32, #tpu.memory_space<vmem>>) offsets(%dma_start3A_23 : memref<8xi32, #tpu.memory_space<vmem>>) semaphore(%arg18 : memref<!tpu.dma_semaphore, #tpu.memory_space<semaphore_mem>>)
    %dma_start3A_27 = arith.constant 40 : i32
    %dma_start3A_28 = tpu.memref_slice %arg5[%dma_start3A_27] : memref<1024xi32, #tpu.memory_space<vmem>> -> memref<8xi32, #tpu.memory_space<vmem>>
    %dma_start3A_29 = arith.constant 0 : i32
    %dma_start3A_30 = arith.constant 0 : i32
    %dma_start3A_31 = tpu.memref_slice %arg3[%dma_start3A_29, %dma_start3A_30] : memref<8192x1024xf32, #tpu.memory_space<hbm>> -> memref<8192x1024xf32, #tpu.memory_space<hbm>>
    tpu.enqueue_indirect_dma source(%dma_start3A_31 : memref<8192x1024xf32, #tpu.memory_space<hbm>>) target(%arg11 : memref<8x1024xf32, #tpu.memory_space<vmem>>) offsets(%dma_start3A_28 : memref<8xi32, #tpu.memory_space<vmem>>) semaphore(%arg19 : memref<!tpu.dma_semaphore, #tpu.memory_space<semaphore_mem>>)
    %dma_start3A_32 = arith.constant 48 : i32
    %dma_start3A_33 = tpu.memref_slice %arg5[%dma_start3A_32] : memref<1024xi32, #tpu.memory_space<vmem>> -> memref<8xi32, #tpu.memory_space<vmem>>
    %dma_start3A_34 = arith.constant 0 : i32
    %dma_start3A_35 = arith.constant 0 : i32
    %dma_start3A_36 = tpu.memref_slice %arg3[%dma_start3A_34, %dma_start3A_35] : memref<8192x1024xf32, #tpu.memory_space<hbm>> -> memref<8192x1024xf32, #tpu.memory_space<hbm>>
    tpu.enqueue_indirect_dma source(%dma_start3A_36 : memref<8192x1024xf32, #tpu.memory_space<hbm>>) target(%arg12 : memref<8x1024xf32, #tpu.memory_space<vmem>>) offsets(%dma_start3A_33 : memref<8xi32, #tpu.memory_space<vmem>>) semaphore(%arg20 : memref<!tpu.dma_semaphore, #tpu.memory_space<semaphore_mem>>)
    %dma_start3A_37 = arith.constant 56 : i32
    %dma_start3A_38 = tpu.memref_slice %arg5[%dma_start3A_37] : memref<1024xi32, #tpu.memory_space<vmem>> -> memref<8xi32, #tpu.memory_space<vmem>>
    %dma_start3A_39 = arith.constant 0 : i32
    %dma_start3A_40 = arith.constant 0 : i32
    %dma_start3A_41 = tpu.memref_slice %arg3[%dma_start3A_39, %dma_start3A_40] : memref<8192x1024xf32, #tpu.memory_space<hbm>> -> memref<8192x1024xf32, #tpu.memory_space<hbm>>
    tpu.enqueue_indirect_dma source(%dma_start3A_41 : memref<8192x1024xf32, #tpu.memory_space<hbm>>) target(%arg13 : memref<8x1024xf32, #tpu.memory_space<vmem>>) offsets(%dma_start3A_38 : memref<8xi32, #tpu.memory_space<vmem>>) semaphore(%arg21 : memref<!tpu.dma_semaphore, #tpu.memory_space<semaphore_mem>>)
    %scan3A = arith.constant 0 : i32
    %scan3A_42 = arith.constant 0 : i32
    %scan3A_43 = arith.constant 16 : i32
    %scan3A_44 = arith.addi %scan3A_42, %scan3A_43 : i32
    %scan3A_45 = arith.constant 1 : i32
    scf.for %scan3A_78 = %scan3A_42 to %scan3A_44 step %scan3A_45  : i32 {
      %mul3A_79 = arith.constant 8 : i32
      %mul3A_80 = arith.muli %scan3A_78, %mul3A_79 : i32
      %dma_wait3A_81 = arith.constant 0 : i32
      %dma_wait3A_82 = tpu.memref_slice %arg5[%dma_wait3A_81] : memref<1024xi32, #tpu.memory_space<vmem>> -> memref<8xi32, #tpu.memory_space<vmem>>
      %dma_wait3A_83 = arith.constant 0 : i32
      %dma_wait3A_84 = arith.constant 0 : i32
      %dma_wait3A_85 = tpu.memref_slice %arg3[%dma_wait3A_83, %dma_wait3A_84] : memref<8192x1024xf32, #tpu.memory_space<hbm>> -> memref<8192x1024xf32, #tpu.memory_space<hbm>>
      tpu.wait_indirect_dma semaphore(%arg14 : memref<!tpu.dma_semaphore, #tpu.memory_space<semaphore_mem>>) src(%dma_wait3A_85 : memref<8192x1024xf32, #tpu.memory_space<hbm>>) dst(%arg6 : memref<8x1024xf32, #tpu.memory_space<vmem>>)
      %add3A_86 = arith.constant 0 : i32
      %add3A_87 = arith.addi %mul3A_80, %add3A_86 : i32
      %mul3A_88 = arith.constant 8 : i32
      %mul3A_89 = arith.muli %add3A_87, %mul3A_88 : i32
      %add3A_90 = arith.addi %mul3A_2, %mul3A_89 : i32
      %dma_start3A_91 = arith.constant 0 : i32
      %dma_start3A_92 = tpu.memref_slice %arg4[%add3A_90, %dma_start3A_91] : memref<32768x1024xf32, #tpu.memory_space<hbm>> -> memref<8x1024xf32, #tpu.memory_space<hbm>>
      %dma_start3A_93 = arith.constant 0 : i32
      %dma_start3A_94 = tpu.memref_slice %arg4[%add3A_90, %dma_start3A_93] : memref<32768x1024xf32, #tpu.memory_space<hbm>> -> memref<8x1024xf32, #tpu.memory_space<hbm>>
      tpu.enqueue_dma source(%arg6 : memref<8x1024xf32, #tpu.memory_space<vmem>>) target(%dma_start3A_94 : memref<8x1024xf32, #tpu.memory_space<hbm>>) target_semaphore(%arg22 : memref<!tpu.dma_semaphore, #tpu.memory_space<semaphore_mem>>)
      %dma_wait3A_95 = arith.constant 0 : i32
      %dma_wait3A_96 = tpu.memref_slice %arg5[%dma_wait3A_95] : memref<1024xi32, #tpu.memory_space<vmem>> -> memref<8xi32, #tpu.memory_space<vmem>>
      %dma_wait3A_97 = arith.constant 0 : i32
      %dma_wait3A_98 = arith.constant 0 : i32
      %dma_wait3A_99 = tpu.memref_slice %arg3[%dma_wait3A_97, %dma_wait3A_98] : memref<8192x1024xf32, #tpu.memory_space<hbm>> -> memref<8192x1024xf32, #tpu.memory_space<hbm>>
      tpu.wait_indirect_dma semaphore(%arg15 : memref<!tpu.dma_semaphore, #tpu.memory_space<semaphore_mem>>) src(%dma_wait3A_99 : memref<8192x1024xf32, #tpu.memory_space<hbm>>) dst(%arg7 : memref<8x1024xf32, #tpu.memory_space<vmem>>)
      %add3A_100 = arith.constant 1 : i32
      %add3A_101 = arith.addi %mul3A_80, %add3A_100 : i32
      %mul3A_102 = arith.constant 8 : i32
      %mul3A_103 = arith.muli %add3A_101, %mul3A_102 : i32
      %add3A_104 = arith.addi %mul3A_2, %mul3A_103 : i32
      %dma_start3A_105 = arith.constant 0 : i32
      %dma_start3A_106 = tpu.memref_slice %arg4[%add3A_104, %dma_start3A_105] : memref<32768x1024xf32, #tpu.memory_space<hbm>> -> memref<8x1024xf32, #tpu.memory_space<hbm>>
      %dma_start3A_107 = arith.constant 0 : i32
      %dma_start3A_108 = tpu.memref_slice %arg4[%add3A_104, %dma_start3A_107] : memref<32768x1024xf32, #tpu.memory_space<hbm>> -> memref<8x1024xf32, #tpu.memory_space<hbm>>
      tpu.enqueue_dma source(%arg7 : memref<8x1024xf32, #tpu.memory_space<vmem>>) target(%dma_start3A_108 : memref<8x1024xf32, #tpu.memory_space<hbm>>) target_semaphore(%arg23 : memref<!tpu.dma_semaphore, #tpu.memory_space<semaphore_mem>>)
      %dma_wait3A_109 = arith.constant 0 : i32
      %dma_wait3A_110 = tpu.memref_slice %arg5[%dma_wait3A_109] : memref<1024xi32, #tpu.memory_space<vmem>> -> memref<8xi32, #tpu.memory_space<vmem>>
      %dma_wait3A_111 = arith.constant 0 : i32
      %dma_wait3A_112 = arith.constant 0 : i32
      %dma_wait3A_113 = tpu.memref_slice %arg3[%dma_wait3A_111, %dma_wait3A_112] : memref<8192x1024xf32, #tpu.memory_space<hbm>> -> memref<8192x1024xf32, #tpu.memory_space<hbm>>
      tpu.wait_indirect_dma semaphore(%arg16 : memref<!tpu.dma_semaphore, #tpu.memory_space<semaphore_mem>>) src(%dma_wait3A_113 : memref<8192x1024xf32, #tpu.memory_space<hbm>>) dst(%arg8 : memref<8x1024xf32, #tpu.memory_space<vmem>>)
      %add3A_114 = arith.constant 2 : i32
      %add3A_115 = arith.addi %mul3A_80, %add3A_114 : i32
      %mul3A_116 = arith.constant 8 : i32
      %mul3A_117 = arith.muli %add3A_115, %mul3A_116 : i32
      %add3A_118 = arith.addi %mul3A_2, %mul3A_117 : i32
      %dma_start3A_119 = arith.constant 0 : i32
      %dma_start3A_120 = tpu.memref_slice %arg4[%add3A_118, %dma_start3A_119] : memref<32768x1024xf32, #tpu.memory_space<hbm>> -> memref<8x1024xf32, #tpu.memory_space<hbm>>
      %dma_start3A_121 = arith.constant 0 : i32
      %dma_start3A_122 = tpu.memref_slice %arg4[%add3A_118, %dma_start3A_121] : memref<32768x1024xf32, #tpu.memory_space<hbm>> -> memref<8x1024xf32, #tpu.memory_space<hbm>>
      tpu.enqueue_dma source(%arg8 : memref<8x1024xf32, #tpu.memory_space<vmem>>) target(%dma_start3A_122 : memref<8x1024xf32, #tpu.memory_space<hbm>>) target_semaphore(%arg24 : memref<!tpu.dma_semaphore, #tpu.memory_space<semaphore_mem>>)
      %dma_wait3A_123 = arith.constant 0 : i32
      %dma_wait3A_124 = tpu.memref_slice %arg5[%dma_wait3A_123] : memref<1024xi32, #tpu.memory_space<vmem>> -> memref<8xi32, #tpu.memory_space<vmem>>
      %dma_wait3A_125 = arith.constant 0 : i32
      %dma_wait3A_126 = arith.constant 0 : i32
      %dma_wait3A_127 = tpu.memref_slice %arg3[%dma_wait3A_125, %dma_wait3A_126] : memref<8192x1024xf32, #tpu.memory_space<hbm>> -> memref<8192x1024xf32, #tpu.memory_space<hbm>>
      tpu.wait_indirect_dma semaphore(%arg17 : memref<!tpu.dma_semaphore, #tpu.memory_space<semaphore_mem>>) src(%dma_wait3A_127 : memref<8192x1024xf32, #tpu.memory_space<hbm>>) dst(%arg9 : memref<8x1024xf32, #tpu.memory_space<vmem>>)
      %add3A_128 = arith.constant 3 : i32
      %add3A_129 = arith.addi %mul3A_80, %add3A_128 : i32
      %mul3A_130 = arith.constant 8 : i32
      %mul3A_131 = arith.muli %add3A_129, %mul3A_130 : i32
      %add3A_132 = arith.addi %mul3A_2, %mul3A_131 : i32
      %dma_start3A_133 = arith.constant 0 : i32
      %dma_start3A_134 = tpu.memref_slice %arg4[%add3A_132, %dma_start3A_133] : memref<32768x1024xf32, #tpu.memory_space<hbm>> -> memref<8x1024xf32, #tpu.memory_space<hbm>>
      %dma_start3A_135 = arith.constant 0 : i32
      %dma_start3A_136 = tpu.memref_slice %arg4[%add3A_132, %dma_start3A_135] : memref<32768x1024xf32, #tpu.memory_space<hbm>> -> memref<8x1024xf32, #tpu.memory_space<hbm>>
      tpu.enqueue_dma source(%arg9 : memref<8x1024xf32, #tpu.memory_space<vmem>>) target(%dma_start3A_136 : memref<8x1024xf32, #tpu.memory_space<hbm>>) target_semaphore(%arg25 : memref<!tpu.dma_semaphore, #tpu.memory_space<semaphore_mem>>)
      %dma_wait3A_137 = arith.constant 0 : i32
      %dma_wait3A_138 = tpu.memref_slice %arg5[%dma_wait3A_137] : memref<1024xi32, #tpu.memory_space<vmem>> -> memref<8xi32, #tpu.memory_space<vmem>>
      %dma_wait3A_139 = arith.constant 0 : i32
      %dma_wait3A_140 = arith.constant 0 : i32
      %dma_wait3A_141 = tpu.memref_slice %arg3[%dma_wait3A_139, %dma_wait3A_140] : memref<8192x1024xf32, #tpu.memory_space<hbm>> -> memref<8192x1024xf32, #tpu.memory_space<hbm>>
      tpu.wait_indirect_dma semaphore(%arg18 : memref<!tpu.dma_semaphore, #tpu.memory_space<semaphore_mem>>) src(%dma_wait3A_141 : memref<8192x1024xf32, #tpu.memory_space<hbm>>) dst(%arg10 : memref<8x1024xf32, #tpu.memory_space<vmem>>)
      %add3A_142 = arith.constant 4 : i32
      %add3A_143 = arith.addi %mul3A_80, %add3A_142 : i32
      %mul3A_144 = arith.constant 8 : i32
      %mul3A_145 = arith.muli %add3A_143, %mul3A_144 : i32
      %add3A_146 = arith.addi %mul3A_2, %mul3A_145 : i32
      %dma_start3A_147 = arith.constant 0 : i32
      %dma_start3A_148 = tpu.memref_slice %arg4[%add3A_146, %dma_start3A_147] : memref<32768x1024xf32, #tpu.memory_space<hbm>> -> memref<8x1024xf32, #tpu.memory_space<hbm>>
      %dma_start3A_149 = arith.constant 0 : i32
      %dma_start3A_150 = tpu.memref_slice %arg4[%add3A_146, %dma_start3A_149] : memref<32768x1024xf32, #tpu.memory_space<hbm>> -> memref<8x1024xf32, #tpu.memory_space<hbm>>
      tpu.enqueue_dma source(%arg10 : memref<8x1024xf32, #tpu.memory_space<vmem>>) target(%dma_start3A_150 : memref<8x1024xf32, #tpu.memory_space<hbm>>) target_semaphore(%arg26 : memref<!tpu.dma_semaphore, #tpu.memory_space<semaphore_mem>>)
      %dma_wait3A_151 = arith.constant 0 : i32
      %dma_wait3A_152 = tpu.memref_slice %arg5[%dma_wait3A_151] : memref<1024xi32, #tpu.memory_space<vmem>> -> memref<8xi32, #tpu.memory_space<vmem>>
      %dma_wait3A_153 = arith.constant 0 : i32
      %dma_wait3A_154 = arith.constant 0 : i32
      %dma_wait3A_155 = tpu.memref_slice %arg3[%dma_wait3A_153, %dma_wait3A_154] : memref<8192x1024xf32, #tpu.memory_space<hbm>> -> memref<8192x1024xf32, #tpu.memory_space<hbm>>
      tpu.wait_indirect_dma semaphore(%arg19 : memref<!tpu.dma_semaphore, #tpu.memory_space<semaphore_mem>>) src(%dma_wait3A_155 : memref<8192x1024xf32, #tpu.memory_space<hbm>>) dst(%arg11 : memref<8x1024xf32, #tpu.memory_space<vmem>>)
      %add3A_156 = arith.constant 5 : i32
      %add3A_157 = arith.addi %mul3A_80, %add3A_156 : i32
      %mul3A_158 = arith.constant 8 : i32
      %mul3A_159 = arith.muli %add3A_157, %mul3A_158 : i32
      %add3A_160 = arith.addi %mul3A_2, %mul3A_159 : i32
      %dma_start3A_161 = arith.constant 0 : i32
      %dma_start3A_162 = tpu.memref_slice %arg4[%add3A_160, %dma_start3A_161] : memref<32768x1024xf32, #tpu.memory_space<hbm>> -> memref<8x1024xf32, #tpu.memory_space<hbm>>
      %dma_start3A_163 = arith.constant 0 : i32
      %dma_start3A_164 = tpu.memref_slice %arg4[%add3A_160, %dma_start3A_163] : memref<32768x1024xf32, #tpu.memory_space<hbm>> -> memref<8x1024xf32, #tpu.memory_space<hbm>>
      tpu.enqueue_dma source(%arg11 : memref<8x1024xf32, #tpu.memory_space<vmem>>) target(%dma_start3A_164 : memref<8x1024xf32, #tpu.memory_space<hbm>>) target_semaphore(%arg27 : memref<!tpu.dma_semaphore, #tpu.memory_space<semaphore_mem>>)
      %dma_wait3A_165 = arith.constant 0 : i32
      %dma_wait3A_166 = tpu.memref_slice %arg5[%dma_wait3A_165] : memref<1024xi32, #tpu.memory_space<vmem>> -> memref<8xi32, #tpu.memory_space<vmem>>
      %dma_wait3A_167 = arith.constant 0 : i32
      %dma_wait3A_168 = arith.constant 0 : i32
      %dma_wait3A_169 = tpu.memref_slice %arg3[%dma_wait3A_167, %dma_wait3A_168] : memref<8192x1024xf32, #tpu.memory_space<hbm>> -> memref<8192x1024xf32, #tpu.memory_space<hbm>>
      tpu.wait_indirect_dma semaphore(%arg20 : memref<!tpu.dma_semaphore, #tpu.memory_space<semaphore_mem>>) src(%dma_wait3A_169 : memref<8192x1024xf32, #tpu.memory_space<hbm>>) dst(%arg12 : memref<8x1024xf32, #tpu.memory_space<vmem>>)
      %add3A_170 = arith.constant 6 : i32
      %add3A_171 = arith.addi %mul3A_80, %add3A_170 : i32
      %mul3A_172 = arith.constant 8 : i32
      %mul3A_173 = arith.muli %add3A_171, %mul3A_172 : i32
      %add3A_174 = arith.addi %mul3A_2, %mul3A_173 : i32
      %dma_start3A_175 = arith.constant 0 : i32
      %dma_start3A_176 = tpu.memref_slice %arg4[%add3A_174, %dma_start3A_175] : memref<32768x1024xf32, #tpu.memory_space<hbm>> -> memref<8x1024xf32, #tpu.memory_space<hbm>>
      %dma_start3A_177 = arith.constant 0 : i32
      %dma_start3A_178 = tpu.memref_slice %arg4[%add3A_174, %dma_start3A_177] : memref<32768x1024xf32, #tpu.memory_space<hbm>> -> memref<8x1024xf32, #tpu.memory_space<hbm>>
      tpu.enqueue_dma source(%arg12 : memref<8x1024xf32, #tpu.memory_space<vmem>>) target(%dma_start3A_178 : memref<8x1024xf32, #tpu.memory_space<hbm>>) target_semaphore(%arg28 : memref<!tpu.dma_semaphore, #tpu.memory_space<semaphore_mem>>)
      %dma_wait3A_179 = arith.constant 0 : i32
      %dma_wait3A_180 = tpu.memref_slice %arg5[%dma_wait3A_179] : memref<1024xi32, #tpu.memory_space<vmem>> -> memref<8xi32, #tpu.memory_space<vmem>>
      %dma_wait3A_181 = arith.constant 0 : i32
      %dma_wait3A_182 = arith.constant 0 : i32
      %dma_wait3A_183 = tpu.memref_slice %arg3[%dma_wait3A_181, %dma_wait3A_182] : memref<8192x1024xf32, #tpu.memory_space<hbm>> -> memref<8192x1024xf32, #tpu.memory_space<hbm>>
      tpu.wait_indirect_dma semaphore(%arg21 : memref<!tpu.dma_semaphore, #tpu.memory_space<semaphore_mem>>) src(%dma_wait3A_183 : memref<8192x1024xf32, #tpu.memory_space<hbm>>) dst(%arg13 : memref<8x1024xf32, #tpu.memory_space<vmem>>)
      %add3A_184 = arith.constant 7 : i32
      %add3A_185 = arith.addi %mul3A_80, %add3A_184 : i32
      %mul3A_186 = arith.constant 8 : i32
      %mul3A_187 = arith.muli %add3A_185, %mul3A_186 : i32
      %add3A_188 = arith.addi %mul3A_2, %mul3A_187 : i32
      %dma_start3A_189 = arith.constant 0 : i32
      %dma_start3A_190 = tpu.memref_slice %arg4[%add3A_188, %dma_start3A_189] : memref<32768x1024xf32, #tpu.memory_space<hbm>> -> memref<8x1024xf32, #tpu.memory_space<hbm>>
      %dma_start3A_191 = arith.constant 0 : i32
      %dma_start3A_192 = tpu.memref_slice %arg4[%add3A_188, %dma_start3A_191] : memref<32768x1024xf32, #tpu.memory_space<hbm>> -> memref<8x1024xf32, #tpu.memory_space<hbm>>
      tpu.enqueue_dma source(%arg13 : memref<8x1024xf32, #tpu.memory_space<vmem>>) target(%dma_start3A_192 : memref<8x1024xf32, #tpu.memory_space<hbm>>) target_semaphore(%arg29 : memref<!tpu.dma_semaphore, #tpu.memory_space<semaphore_mem>>)
      %lt3A = arith.constant 15 : i32
      %lt3A_193 = arith.cmpi slt, %scan3A_78, %lt3A : i32
      %convert_element_type3A = arith.extui %lt3A_193 : i1 to i32
      %cond3A = arith.constant 0 : i32
      %cond3A_194 = arith.cmpi ne, %convert_element_type3A, %cond3A : i32
      scf.if %cond3A_194 {
        %dma_wait3A_195 = arith.constant 0 : i32
        %dma_wait3A_196 = tpu.memref_slice %arg4[%mul3A_2, %dma_wait3A_195] : memref<32768x1024xf32, #tpu.memory_space<hbm>> -> memref<8x1024xf32, #tpu.memory_space<hbm>>
        %dma_wait3A_197 = arith.constant 0 : i32
        %dma_wait3A_198 = tpu.memref_slice %arg4[%mul3A_2, %dma_wait3A_197] : memref<32768x1024xf32, #tpu.memory_space<hbm>> -> memref<8x1024xf32, #tpu.memory_space<hbm>>
        tpu.wait_dma2 semaphore(%arg22 : memref<!tpu.dma_semaphore, #tpu.memory_space<semaphore_mem>>) src(%arg6 : memref<8x1024xf32, #tpu.memory_space<vmem>>) dst(%dma_wait3A_198 : memref<8x1024xf32, #tpu.memory_space<hbm>>)
        %add3A_199 = arith.constant 8 : i32
        %add3A_200 = arith.addi %mul3A_80, %add3A_199 : i32
        %add3A_201 = arith.constant 0 : i32
        %add3A_202 = arith.addi %add3A_200, %add3A_201 : i32
        %mul3A_203 = arith.constant 8 : i32
        %mul3A_204 = arith.muli %add3A_202, %mul3A_203 : i32
        %dma_start3A_205 = tpu.memref_slice %arg5[%mul3A_204] : memref<1024xi32, #tpu.memory_space<vmem>> -> memref<8xi32, #tpu.memory_space<vmem>>
        %dma_start3A_206 = arith.constant 0 : i32
        %dma_start3A_207 = arith.constant 0 : i32
        %dma_start3A_208 = tpu.memref_slice %arg3[%dma_start3A_206, %dma_start3A_207] : memref<8192x1024xf32, #tpu.memory_space<hbm>> -> memref<8192x1024xf32, #tpu.memory_space<hbm>>
        tpu.enqueue_indirect_dma source(%dma_start3A_208 : memref<8192x1024xf32, #tpu.memory_space<hbm>>) target(%arg6 : memref<8x1024xf32, #tpu.memory_space<vmem>>) offsets(%dma_start3A_205 : memref<8xi32, #tpu.memory_space<vmem>>) semaphore(%arg14 : memref<!tpu.dma_semaphore, #tpu.memory_space<semaphore_mem>>)
        %dma_wait3A_209 = arith.constant 0 : i32
        %dma_wait3A_210 = tpu.memref_slice %arg4[%mul3A_2, %dma_wait3A_209] : memref<32768x1024xf32, #tpu.memory_space<hbm>> -> memref<8x1024xf32, #tpu.memory_space<hbm>>
        %dma_wait3A_211 = arith.constant 0 : i32
        %dma_wait3A_212 = tpu.memref_slice %arg4[%mul3A_2, %dma_wait3A_211] : memref<32768x1024xf32, #tpu.memory_space<hbm>> -> memref<8x1024xf32, #tpu.memory_space<hbm>>
        tpu.wait_dma2 semaphore(%arg23 : memref<!tpu.dma_semaphore, #tpu.memory_space<semaphore_mem>>) src(%arg7 : memref<8x1024xf32, #tpu.memory_space<vmem>>) dst(%dma_wait3A_212 : memref<8x1024xf32, #tpu.memory_space<hbm>>)
        %add3A_213 = arith.constant 8 : i32
        %add3A_214 = arith.addi %mul3A_80, %add3A_213 : i32
        %add3A_215 = arith.constant 1 : i32
        %add3A_216 = arith.addi %add3A_214, %add3A_215 : i32
        %mul3A_217 = arith.constant 8 : i32
        %mul3A_218 = arith.muli %add3A_216, %mul3A_217 : i32
        %dma_start3A_219 = tpu.memref_slice %arg5[%mul3A_218] : memref<1024xi32, #tpu.memory_space<vmem>> -> memref<8xi32, #tpu.memory_space<vmem>>
        %dma_start3A_220 = arith.constant 0 : i32
        %dma_start3A_221 = arith.constant 0 : i32
        %dma_start3A_222 = tpu.memref_slice %arg3[%dma_start3A_220, %dma_start3A_221] : memref<8192x1024xf32, #tpu.memory_space<hbm>> -> memref<8192x1024xf32, #tpu.memory_space<hbm>>
        tpu.enqueue_indirect_dma source(%dma_start3A_222 : memref<8192x1024xf32, #tpu.memory_space<hbm>>) target(%arg7 : memref<8x1024xf32, #tpu.memory_space<vmem>>) offsets(%dma_start3A_219 : memref<8xi32, #tpu.memory_space<vmem>>) semaphore(%arg15 : memref<!tpu.dma_semaphore, #tpu.memory_space<semaphore_mem>>)
        %dma_wait3A_223 = arith.constant 0 : i32
        %dma_wait3A_224 = tpu.memref_slice %arg4[%mul3A_2, %dma_wait3A_223] : memref<32768x1024xf32, #tpu.memory_space<hbm>> -> memref<8x1024xf32, #tpu.memory_space<hbm>>
        %dma_wait3A_225 = arith.constant 0 : i32
        %dma_wait3A_226 = tpu.memref_slice %arg4[%mul3A_2, %dma_wait3A_225] : memref<32768x1024xf32, #tpu.memory_space<hbm>> -> memref<8x1024xf32, #tpu.memory_space<hbm>>
        tpu.wait_dma2 semaphore(%arg24 : memref<!tpu.dma_semaphore, #tpu.memory_space<semaphore_mem>>) src(%arg8 : memref<8x1024xf32, #tpu.memory_space<vmem>>) dst(%dma_wait3A_226 : memref<8x1024xf32, #tpu.memory_space<hbm>>)
        %add3A_227 = arith.constant 8 : i32
        %add3A_228 = arith.addi %mul3A_80, %add3A_227 : i32
        %add3A_229 = arith.constant 2 : i32
        %add3A_230 = arith.addi %add3A_228, %add3A_229 : i32
        %mul3A_231 = arith.constant 8 : i32
        %mul3A_232 = arith.muli %add3A_230, %mul3A_231 : i32
        %dma_start3A_233 = tpu.memref_slice %arg5[%mul3A_232] : memref<1024xi32, #tpu.memory_space<vmem>> -> memref<8xi32, #tpu.memory_space<vmem>>
        %dma_start3A_234 = arith.constant 0 : i32
        %dma_start3A_235 = arith.constant 0 : i32
        %dma_start3A_236 = tpu.memref_slice %arg3[%dma_start3A_234, %dma_start3A_235] : memref<8192x1024xf32, #tpu.memory_space<hbm>> -> memref<8192x1024xf32, #tpu.memory_space<hbm>>
        tpu.enqueue_indirect_dma source(%dma_start3A_236 : memref<8192x1024xf32, #tpu.memory_space<hbm>>) target(%arg8 : memref<8x1024xf32, #tpu.memory_space<vmem>>) offsets(%dma_start3A_233 : memref<8xi32, #tpu.memory_space<vmem>>) semaphore(%arg16 : memref<!tpu.dma_semaphore, #tpu.memory_space<semaphore_mem>>)
        %dma_wait3A_237 = arith.constant 0 : i32
        %dma_wait3A_238 = tpu.memref_slice %arg4[%mul3A_2, %dma_wait3A_237] : memref<32768x1024xf32, #tpu.memory_space<hbm>> -> memref<8x1024xf32, #tpu.memory_space<hbm>>
        %dma_wait3A_239 = arith.constant 0 : i32
        %dma_wait3A_240 = tpu.memref_slice %arg4[%mul3A_2, %dma_wait3A_239] : memref<32768x1024xf32, #tpu.memory_space<hbm>> -> memref<8x1024xf32, #tpu.memory_space<hbm>>
        tpu.wait_dma2 semaphore(%arg25 : memref<!tpu.dma_semaphore, #tpu.memory_space<semaphore_mem>>) src(%arg9 : memref<8x1024xf32, #tpu.memory_space<vmem>>) dst(%dma_wait3A_240 : memref<8x1024xf32, #tpu.memory_space<hbm>>)
        %add3A_241 = arith.constant 8 : i32
        %add3A_242 = arith.addi %mul3A_80, %add3A_241 : i32
        %add3A_243 = arith.constant 3 : i32
        %add3A_244 = arith.addi %add3A_242, %add3A_243 : i32
        %mul3A_245 = arith.constant 8 : i32
        %mul3A_246 = arith.muli %add3A_244, %mul3A_245 : i32
        %dma_start3A_247 = tpu.memref_slice %arg5[%mul3A_246] : memref<1024xi32, #tpu.memory_space<vmem>> -> memref<8xi32, #tpu.memory_space<vmem>>
        %dma_start3A_248 = arith.constant 0 : i32
        %dma_start3A_249 = arith.constant 0 : i32
        %dma_start3A_250 = tpu.memref_slice %arg3[%dma_start3A_248, %dma_start3A_249] : memref<8192x1024xf32, #tpu.memory_space<hbm>> -> memref<8192x1024xf32, #tpu.memory_space<hbm>>
        tpu.enqueue_indirect_dma source(%dma_start3A_250 : memref<8192x1024xf32, #tpu.memory_space<hbm>>) target(%arg9 : memref<8x1024xf32, #tpu.memory_space<vmem>>) offsets(%dma_start3A_247 : memref<8xi32, #tpu.memory_space<vmem>>) semaphore(%arg17 : memref<!tpu.dma_semaphore, #tpu.memory_space<semaphore_mem>>)
        %dma_wait3A_251 = arith.constant 0 : i32
        %dma_wait3A_252 = tpu.memref_slice %arg4[%mul3A_2, %dma_wait3A_251] : memref<32768x1024xf32, #tpu.memory_space<hbm>> -> memref<8x1024xf32, #tpu.memory_space<hbm>>
        %dma_wait3A_253 = arith.constant 0 : i32
        %dma_wait3A_254 = tpu.memref_slice %arg4[%mul3A_2, %dma_wait3A_253] : memref<32768x1024xf32, #tpu.memory_space<hbm>> -> memref<8x1024xf32, #tpu.memory_space<hbm>>
        tpu.wait_dma2 semaphore(%arg26 : memref<!tpu.dma_semaphore, #tpu.memory_space<semaphore_mem>>) src(%arg10 : memref<8x1024xf32, #tpu.memory_space<vmem>>) dst(%dma_wait3A_254 : memref<8x1024xf32, #tpu.memory_space<hbm>>)
        %add3A_255 = arith.constant 8 : i32
        %add3A_256 = arith.addi %mul3A_80, %add3A_255 : i32
        %add3A_257 = arith.constant 4 : i32
        %add3A_258 = arith.addi %add3A_256, %add3A_257 : i32
        %mul3A_259 = arith.constant 8 : i32
        %mul3A_260 = arith.muli %add3A_258, %mul3A_259 : i32
        %dma_start3A_261 = tpu.memref_slice %arg5[%mul3A_260] : memref<1024xi32, #tpu.memory_space<vmem>> -> memref<8xi32, #tpu.memory_space<vmem>>
        %dma_start3A_262 = arith.constant 0 : i32
        %dma_start3A_263 = arith.constant 0 : i32
        %dma_start3A_264 = tpu.memref_slice %arg3[%dma_start3A_262, %dma_start3A_263] : memref<8192x1024xf32, #tpu.memory_space<hbm>> -> memref<8192x1024xf32, #tpu.memory_space<hbm>>
        tpu.enqueue_indirect_dma source(%dma_start3A_264 : memref<8192x1024xf32, #tpu.memory_space<hbm>>) target(%arg10 : memref<8x1024xf32, #tpu.memory_space<vmem>>) offsets(%dma_start3A_261 : memref<8xi32, #tpu.memory_space<vmem>>) semaphore(%arg18 : memref<!tpu.dma_semaphore, #tpu.memory_space<semaphore_mem>>)
        %dma_wait3A_265 = arith.constant 0 : i32
        %dma_wait3A_266 = tpu.memref_slice %arg4[%mul3A_2, %dma_wait3A_265] : memref<32768x1024xf32, #tpu.memory_space<hbm>> -> memref<8x1024xf32, #tpu.memory_space<hbm>>
        %dma_wait3A_267 = arith.constant 0 : i32
        %dma_wait3A_268 = tpu.memref_slice %arg4[%mul3A_2, %dma_wait3A_267] : memref<32768x1024xf32, #tpu.memory_space<hbm>> -> memref<8x1024xf32, #tpu.memory_space<hbm>>
        tpu.wait_dma2 semaphore(%arg27 : memref<!tpu.dma_semaphore, #tpu.memory_space<semaphore_mem>>) src(%arg11 : memref<8x1024xf32, #tpu.memory_space<vmem>>) dst(%dma_wait3A_268 : memref<8x1024xf32, #tpu.memory_space<hbm>>)
        %add3A_269 = arith.constant 8 : i32
        %add3A_270 = arith.addi %mul3A_80, %add3A_269 : i32
        %add3A_271 = arith.constant 5 : i32
        %add3A_272 = arith.addi %add3A_270, %add3A_271 : i32
        %mul3A_273 = arith.constant 8 : i32
        %mul3A_274 = arith.muli %add3A_272, %mul3A_273 : i32
        %dma_start3A_275 = tpu.memref_slice %arg5[%mul3A_274] : memref<1024xi32, #tpu.memory_space<vmem>> -> memref<8xi32, #tpu.memory_space<vmem>>
        %dma_start3A_276 = arith.constant 0 : i32
        %dma_start3A_277 = arith.constant 0 : i32
        %dma_start3A_278 = tpu.memref_slice %arg3[%dma_start3A_276, %dma_start3A_277] : memref<8192x1024xf32, #tpu.memory_space<hbm>> -> memref<8192x1024xf32, #tpu.memory_space<hbm>>
        tpu.enqueue_indirect_dma source(%dma_start3A_278 : memref<8192x1024xf32, #tpu.memory_space<hbm>>) target(%arg11 : memref<8x1024xf32, #tpu.memory_space<vmem>>) offsets(%dma_start3A_275 : memref<8xi32, #tpu.memory_space<vmem>>) semaphore(%arg19 : memref<!tpu.dma_semaphore, #tpu.memory_space<semaphore_mem>>)
        %dma_wait3A_279 = arith.constant 0 : i32
        %dma_wait3A_280 = tpu.memref_slice %arg4[%mul3A_2, %dma_wait3A_279] : memref<32768x1024xf32, #tpu.memory_space<hbm>> -> memref<8x1024xf32, #tpu.memory_space<hbm>>
        %dma_wait3A_281 = arith.constant 0 : i32
        %dma_wait3A_282 = tpu.memref_slice %arg4[%mul3A_2, %dma_wait3A_281] : memref<32768x1024xf32, #tpu.memory_space<hbm>> -> memref<8x1024xf32, #tpu.memory_space<hbm>>
        tpu.wait_dma2 semaphore(%arg28 : memref<!tpu.dma_semaphore, #tpu.memory_space<semaphore_mem>>) src(%arg12 : memref<8x1024xf32, #tpu.memory_space<vmem>>) dst(%dma_wait3A_282 : memref<8x1024xf32, #tpu.memory_space<hbm>>)
        %add3A_283 = arith.constant 8 : i32
        %add3A_284 = arith.addi %mul3A_80, %add3A_283 : i32
        %add3A_285 = arith.constant 6 : i32
        %add3A_286 = arith.addi %add3A_284, %add3A_285 : i32
        %mul3A_287 = arith.constant 8 : i32
        %mul3A_288 = arith.muli %add3A_286, %mul3A_287 : i32
        %dma_start3A_289 = tpu.memref_slice %arg5[%mul3A_288] : memref<1024xi32, #tpu.memory_space<vmem>> -> memref<8xi32, #tpu.memory_space<vmem>>
        %dma_start3A_290 = arith.constant 0 : i32
        %dma_start3A_291 = arith.constant 0 : i32
        %dma_start3A_292 = tpu.memref_slice %arg3[%dma_start3A_290, %dma_start3A_291] : memref<8192x1024xf32, #tpu.memory_space<hbm>> -> memref<8192x1024xf32, #tpu.memory_space<hbm>>
        tpu.enqueue_indirect_dma source(%dma_start3A_292 : memref<8192x1024xf32, #tpu.memory_space<hbm>>) target(%arg12 : memref<8x1024xf32, #tpu.memory_space<vmem>>) offsets(%dma_start3A_289 : memref<8xi32, #tpu.memory_space<vmem>>) semaphore(%arg20 : memref<!tpu.dma_semaphore, #tpu.memory_space<semaphore_mem>>)
        %dma_wait3A_293 = arith.constant 0 : i32
        %dma_wait3A_294 = tpu.memref_slice %arg4[%mul3A_2, %dma_wait3A_293] : memref<32768x1024xf32, #tpu.memory_space<hbm>> -> memref<8x1024xf32, #tpu.memory_space<hbm>>
        %dma_wait3A_295 = arith.constant 0 : i32
        %dma_wait3A_296 = tpu.memref_slice %arg4[%mul3A_2, %dma_wait3A_295] : memref<32768x1024xf32, #tpu.memory_space<hbm>> -> memref<8x1024xf32, #tpu.memory_space<hbm>>
        tpu.wait_dma2 semaphore(%arg29 : memref<!tpu.dma_semaphore, #tpu.memory_space<semaphore_mem>>) src(%arg13 : memref<8x1024xf32, #tpu.memory_space<vmem>>) dst(%dma_wait3A_296 : memref<8x1024xf32, #tpu.memory_space<hbm>>)
        %add3A_297 = arith.constant 8 : i32
        %add3A_298 = arith.addi %mul3A_80, %add3A_297 : i32
        %add3A_299 = arith.constant 7 : i32
        %add3A_300 = arith.addi %add3A_298, %add3A_299 : i32
        %mul3A_301 = arith.constant 8 : i32
        %mul3A_302 = arith.muli %add3A_300, %mul3A_301 : i32
        %dma_start3A_303 = tpu.memref_slice %arg5[%mul3A_302] : memref<1024xi32, #tpu.memory_space<vmem>> -> memref<8xi32, #tpu.memory_space<vmem>>
        %dma_start3A_304 = arith.constant 0 : i32
        %dma_start3A_305 = arith.constant 0 : i32
        %dma_start3A_306 = tpu.memref_slice %arg3[%dma_start3A_304, %dma_start3A_305] : memref<8192x1024xf32, #tpu.memory_space<hbm>> -> memref<8192x1024xf32, #tpu.memory_space<hbm>>
        tpu.enqueue_indirect_dma source(%dma_start3A_306 : memref<8192x1024xf32, #tpu.memory_space<hbm>>) target(%arg13 : memref<8x1024xf32, #tpu.memory_space<vmem>>) offsets(%dma_start3A_303 : memref<8xi32, #tpu.memory_space<vmem>>) semaphore(%arg21 : memref<!tpu.dma_semaphore, #tpu.memory_space<semaphore_mem>>)
      } else {
      }
    }
    %scan3A_46 = arith.constant 16 : i32
    %dma_wait3A = arith.constant 0 : i32
    %dma_wait3A_47 = tpu.memref_slice %arg4[%mul3A_2, %dma_wait3A] : memref<32768x1024xf32, #tpu.memory_space<hbm>> -> memref<8x1024xf32, #tpu.memory_space<hbm>>
    %dma_wait3A_48 = arith.constant 0 : i32
    %dma_wait3A_49 = tpu.memref_slice %arg4[%mul3A_2, %dma_wait3A_48] : memref<32768x1024xf32, #tpu.memory_space<hbm>> -> memref<8x1024xf32, #tpu.memory_space<hbm>>
    tpu.wait_dma2 semaphore(%arg22 : memref<!tpu.dma_semaphore, #tpu.memory_space<semaphore_mem>>) src(%arg6 : memref<8x1024xf32, #tpu.memory_space<vmem>>) dst(%dma_wait3A_49 : memref<8x1024xf32, #tpu.memory_space<hbm>>)
    %dma_wait3A_50 = arith.constant 0 : i32
    %dma_wait3A_51 = tpu.memref_slice %arg4[%mul3A_2, %dma_wait3A_50] : memref<32768x1024xf32, #tpu.memory_space<hbm>> -> memref<8x1024xf32, #tpu.memory_space<hbm>>
    %dma_wait3A_52 = arith.constant 0 : i32
    %dma_wait3A_53 = tpu.memref_slice %arg4[%mul3A_2, %dma_wait3A_52] : memref<32768x1024xf32, #tpu.memory_space<hbm>> -> memref<8x1024xf32, #tpu.memory_space<hbm>>
    tpu.wait_dma2 semaphore(%arg23 : memref<!tpu.dma_semaphore, #tpu.memory_space<semaphore_mem>>) src(%arg7 : memref<8x1024xf32, #tpu.memory_space<vmem>>) dst(%dma_wait3A_53 : memref<8x1024xf32, #tpu.memory_space<hbm>>)
    %dma_wait3A_54 = arith.constant 0 : i32
    %dma_wait3A_55 = tpu.memref_slice %arg4[%mul3A_2, %dma_wait3A_54] : memref<32768x1024xf32, #tpu.memory_space<hbm>> -> memref<8x1024xf32, #tpu.memory_space<hbm>>
    %dma_wait3A_56 = arith.constant 0 : i32
    %dma_wait3A_57 = tpu.memref_slice %arg4[%mul3A_2, %dma_wait3A_56] : memref<32768x1024xf32, #tpu.memory_space<hbm>> -> memref<8x1024xf32, #tpu.memory_space<hbm>>
    tpu.wait_dma2 semaphore(%arg24 : memref<!tpu.dma_semaphore, #tpu.memory_space<semaphore_mem>>) src(%arg8 : memref<8x1024xf32, #tpu.memory_space<vmem>>) dst(%dma_wait3A_57 : memref<8x1024xf32, #tpu.memory_space<hbm>>)
    %dma_wait3A_58 = arith.constant 0 : i32
    %dma_wait3A_59 = tpu.memref_slice %arg4[%mul3A_2, %dma_wait3A_58] : memref<32768x1024xf32, #tpu.memory_space<hbm>> -> memref<8x1024xf32, #tpu.memory_space<hbm>>
    %dma_wait3A_60 = arith.constant 0 : i32
    %dma_wait3A_61 = tpu.memref_slice %arg4[%mul3A_2, %dma_wait3A_60] : memref<32768x1024xf32, #tpu.memory_space<hbm>> -> memref<8x1024xf32, #tpu.memory_space<hbm>>
    tpu.wait_dma2 semaphore(%arg25 : memref<!tpu.dma_semaphore, #tpu.memory_space<semaphore_mem>>) src(%arg9 : memref<8x1024xf32, #tpu.memory_space<vmem>>) dst(%dma_wait3A_61 : memref<8x1024xf32, #tpu.memory_space<hbm>>)
    %dma_wait3A_62 = arith.constant 0 : i32
    %dma_wait3A_63 = tpu.memref_slice %arg4[%mul3A_2, %dma_wait3A_62] : memref<32768x1024xf32, #tpu.memory_space<hbm>> -> memref<8x1024xf32, #tpu.memory_space<hbm>>
    %dma_wait3A_64 = arith.constant 0 : i32
    %dma_wait3A_65 = tpu.memref_slice %arg4[%mul3A_2, %dma_wait3A_64] : memref<32768x1024xf32, #tpu.memory_space<hbm>> -> memref<8x1024xf32, #tpu.memory_space<hbm>>
    tpu.wait_dma2 semaphore(%arg26 : memref<!tpu.dma_semaphore, #tpu.memory_space<semaphore_mem>>) src(%arg10 : memref<8x1024xf32, #tpu.memory_space<vmem>>) dst(%dma_wait3A_65 : memref<8x1024xf32, #tpu.memory_space<hbm>>)
    %dma_wait3A_66 = arith.constant 0 : i32
    %dma_wait3A_67 = tpu.memref_slice %arg4[%mul3A_2, %dma_wait3A_66] : memref<32768x1024xf32, #tpu.memory_space<hbm>> -> memref<8x1024xf32, #tpu.memory_space<hbm>>
    %dma_wait3A_68 = arith.constant 0 : i32
    %dma_wait3A_69 = tpu.memref_slice %arg4[%mul3A_2, %dma_wait3A_68] : memref<32768x1024xf32, #tpu.memory_space<hbm>> -> memref<8x1024xf32, #tpu.memory_space<hbm>>
    tpu.wait_dma2 semaphore(%arg27 : memref<!tpu.dma_semaphore, #tpu.memory_space<semaphore_mem>>) src(%arg11 : memref<8x1024xf32, #tpu.memory_space<vmem>>) dst(%dma_wait3A_69 : memref<8x1024xf32, #tpu.memory_space<hbm>>)
    %dma_wait3A_70 = arith.constant 0 : i32
    %dma_wait3A_71 = tpu.memref_slice %arg4[%mul3A_2, %dma_wait3A_70] : memref<32768x1024xf32, #tpu.memory_space<hbm>> -> memref<8x1024xf32, #tpu.memory_space<hbm>>
    %dma_wait3A_72 = arith.constant 0 : i32
    %dma_wait3A_73 = tpu.memref_slice %arg4[%mul3A_2, %dma_wait3A_72] : memref<32768x1024xf32, #tpu.memory_space<hbm>> -> memref<8x1024xf32, #tpu.memory_space<hbm>>
    tpu.wait_dma2 semaphore(%arg28 : memref<!tpu.dma_semaphore, #tpu.memory_space<semaphore_mem>>) src(%arg12 : memref<8x1024xf32, #tpu.memory_space<vmem>>) dst(%dma_wait3A_73 : memref<8x1024xf32, #tpu.memory_space<hbm>>)
    %dma_wait3A_74 = arith.constant 0 : i32
    %dma_wait3A_75 = tpu.memref_slice %arg4[%mul3A_2, %dma_wait3A_74] : memref<32768x1024xf32, #tpu.memory_space<hbm>> -> memref<8x1024xf32, #tpu.memory_space<hbm>>
    %dma_wait3A_76 = arith.constant 0 : i32
    %dma_wait3A_77 = tpu.memref_slice %arg4[%mul3A_2, %dma_wait3A_76] : memref<32768x1024xf32, #tpu.memory_space<hbm>> -> memref<8x1024xf32, #tpu.memory_space<hbm>>
    tpu.wait_dma2 semaphore(%arg29 : memref<!tpu.dma_semaphore, #tpu.memory_space<semaphore_mem>>) src(%arg13 : memref<8x1024xf32, #tpu.memory_space<vmem>>) dst(%dma_wait3A_77 : memref<8x1024xf32, #tpu.memory_space<hbm>>)
    return
  }
}

</mosaic_0001>

<sc_bundles>
// kernel: kernel.3.cloned.1.call-start
scs
__scs_entry_jumppad:
0x0: {  	(pc) =	sbr.rel $0x88, $3  }
0x1: {  	(tag) =	ssettag $0x0;
	lr =	simm.s32 $0x1  }
0x2: {  	[smem:$0x3F9F] =	sst lr;
	_ =	strace $0xD0000000  }
0x3: {  	_ = 	snop  }
0x4: {  	_ = 	snop  }
0x5: {  	_ = 	snop  }
0x6: {  	_ = 	snop  }
0x7: {  	_ = 	snop  }
__scs_overlays_trampoline_lowered:
0x8: {  	[smem:$0x3FAE] =	sst s0  }
0x9: {  	[smem:$0x3FAF] =	sst s1  }
0xa: {  	[smem:$0x3FB0] =	sst s2  }
0xb: {  	[smem:$0x3FB1] =	sst s3  }
0xc: {  	[smem:$0x3FB2] =	sst s4  }
0xd: {  	[smem:$0x3FB3] =	sst s5  }
0xe: {  	[smem:$0x3FB4] =	sst s6  }
0xf: {  	[smem:$0x3FB5] =	sst s7  }
0x10: {  	[smem:$0x3FB6] =	sst s8  }
0x11: {  	[smem:$0x3FB7] =	sst s9;
	s0 =	simm.s32 @!p0 $0x0  }
0x12: {  	s1 =	sld [smem:$0x3F9D];
	s0 =	simm.s32 @p0 $0x1  }
0x13: {  	[smem:$0x3FB8] =	sst s0;
	s0 =	simm.s32 @!p1 $0x0  }
0x14: {  	s2 =	sld [smem:$0x3F9C];
	s0 =	simm.s32 @p1 $0x1  }
0x15: {  	[smem:$0x3FB9] =	sst s0;
	s0 =	simm.s32 @!p2 $0x0  }
0x16: {  	s3 =	sld [smem:$0x3FDB];
	s0 =	simm.s32 @p2 $0x1  }
0x17: {  	s4 =	simm.s32 $0x1BF5;
	[smem:$0x3FBB] =	sst s0  }
0x18: {  	s0 =	sld [smem:$0x3F9E];
	_ =	swait.ge [sflag:s4], $0x0  }
0x19: {  	s7 =	sld [smem:$0x3F9F]  }
0x1a: {  	s8 =	sadd.s32 $0xFFFFE003, lr  }
0x1b: {  	s9 =	sadd.s32 $0xFFFFFEF7, lr;
	s5 =	simm.s32 $0xFFFFFFFF;
	p2 =	slt.u32 s8, $0xFFFFF086  }
0x1c: {  	p1 =	slt.u32 s9, $0xF7A;
	s5 =	simm.s32 @!p2 $0x0  }
0x1d: {  	s5 =	simm.s32 @p1 $0x1;
	p0 =	seq.s32 s7, s2  }
0x1e: {  	s7 =	smul.u32 @!p0 $0xF7A, s2;
	p2 =	seq.s32 @!p0 s5, $0x0  }
0x1f: {  	s9 =	smul.u32 $0xF7A, s1;
	s8 =	simm.s32 @!p0 $0x1BF5;
	p2 =	por !p2, p0  }
0x20: {  	[sflag:s8] =	ssyncset.s32 @!p0 $0xFFFFF086;
	s6 =	sadd.s32 @!p0 s3, s7;
	s7 =	simm.s32 @!p0 $0x108  }
0x21: {  	s3 =	sadd.s32 s3, s9;
	s6 =	sadd.s32 @!p0 $0x88, s6;
	s7 =	simm.s32 @p2 $0x1082  }
0x22: {  	[simem:s7], [sflag:s8] =	dma.local @!p0 [hbm:s6], $0xF7A  }
0x23: {  	s9 =	sor.u32 $0xD0000000, s2;
	s6 =	simm.s32 $0x108;
	_ =	swait.ge @!p0 [sflag:s8], $0x0  }
0x24: {  	s3 =	sadd.s32 $0x88, s3;
	s6 =	simm.s32 @!p1 $0x1082;
	[sflag:s4] =	ssyncset.s32 $0xFFFFF086  }
0x25: {  	[simem:s6], [sflag:s4] =	dma.local [hbm:s3], $0xF7A  }
0x26: {  	[smem:$0x3F9F] =	sst s1;
	(tag) =	ssettag s2;
	_ =	strace s9  }
0x27: {  	s1 =	sld [smem:$0x3FAF]  }
0x28: {  	s2 =	sld [smem:$0x3FB0]  }
0x29: {  	s4 =	sld [smem:$0x3FB2]  }
0x2a: {  	p0 =	seq.s32 s5, $0x0;
	s5 =	sld [smem:$0x3FB3]  }
0x2b: {  	s6 =	sld [smem:$0x3FB4]  }
0x2c: {  	s7 =	sld [smem:$0x3FB5]  }
0x2d: {  	s3 =	simm.s32 $0x108;
	s8 =	sld [smem:$0x3FB6]  }
0x2e: {  	s3 =	simm.s32 @!p0 $0x1082;
	s9 =	sld [smem:$0x3FB7]  }
0x2f: {  	lr =	sadd.s32 s0, s3;
	s0 =	sld [smem:$0x3FAE]  }
0x30: {  	s3 =	sld [smem:$0x3FB1]  }
0x31: {  	[smem:$0x3FBA] =	sst s10  }
0x32: {  	s10 =	sld [smem:$0x3FB8];
	_ =	sdelay $0x3  }
0x33: {  	p0 =	seq.s32 s10, $0x1;
	s10 =	sld [smem:$0x3FBA];
	_ =	sdelay $0x3  }
0x34: {  	[smem:$0x3FBA] =	sst s10  }
0x35: {  	s10 =	sld [smem:$0x3FB9];
	_ =	sdelay $0x3  }
0x36: {  	p1 =	seq.s32 s10, $0x1;
	s10 =	sld [smem:$0x3FBA];
	_ =	sdelay $0x3  }
0x37: {  	[smem:$0x3FBA] =	sst s10  }
0x38: {  	s10 =	sld [smem:$0x3FBB]  }
0x39: {  	_ = 	snop;
	(pc) =	sbr.ind lr, $3  }
0x3a: {  	_ = 	snop  }
0x3b: {  	_ = 	snop  }
0x3c: {  	p2 =	seq.s32 s10, $0x1;
	s10 =	sld [smem:$0x3FBA]  }
0x3d: {  	_ =	shalt  }
0x3e: {  	_ =	shalt  }
0x3f: {  	_ =	shalt  }
0x40: {  	_ =	shalt  }
0x41: {  	_ =	shalt  }
0x42: {  	_ =	shalt  }
0x43: {  	_ =	shalt  }
0x44: {  	_ =	shalt  }
0x45: {  	_ =	shalt  }
0x46: {  	_ =	shalt  }
0x47: {  	_ =	shalt  }
0x48: {  	_ =	shalt  }
0x49: {  	_ =	shalt  }
0x4a: {  	_ =	shalt  }
0x4b: {  	_ =	shalt  }
0x4c: {  	_ =	shalt  }
0x4d: {  	_ =	shalt  }
0x4e: {  	_ =	shalt  }
0x4f: {  	_ =	shalt  }
0x50: {  	_ =	shalt  }
0x51: {  	_ =	shalt  }
0x52: {  	_ =	shalt  }
0x53: {  	_ =	shalt  }
0x54: {  	_ =	shalt  }
0x55: {  	_ =	shalt  }
0x56: {  	_ =	shalt  }
0x57: {  	_ =	shalt  }
0x58: {  	_ =	shalt  }
0x59: {  	_ =	shalt  }
0x5a: {  	_ =	shalt  }
0x5b: {  	_ =	shalt  }
0x5c: {  	_ =	shalt  }
0x5d: {  	_ =	shalt  }
0x5e: {  	_ =	shalt  }
0x5f: {  	_ =	shalt  }
0x60: {  	_ =	shalt  }
0x61: {  	_ =	shalt  }
0x62: {  	_ =	shalt  }
0x63: {  	_ =	shalt  }
0x64: {  	_ =	shalt  }
0x65: {  	_ =	shalt  }
0x66: {  	_ =	shalt  }
0x67: {  	_ =	shalt  }
0x68: {  	_ =	shalt  }
0x69: {  	_ =	shalt  }
0x6a: {  	_ =	shalt  }
0x6b: {  	_ =	shalt  }
0x6c: {  	_ =	shalt  }
0x6d: {  	_ =	shalt  }
0x6e: {  	_ =	shalt  }
0x6f: {  	_ =	shalt  }
0x70: {  	_ =	shalt  }
0x71: {  	_ =	shalt  }
0x72: {  	_ =	shalt  }
0x73: {  	_ =	shalt  }
0x74: {  	_ =	shalt  }
0x75: {  	_ =	shalt  }
0x76: {  	_ =	shalt  }
0x77: {  	_ =	shalt  }
0x78: {  	_ =	shalt  }
0x79: {  	_ =	shalt  }
0x7a: {  	_ =	shalt  }
0x7b: {  	_ =	shalt  }
0x7c: {  	_ =	shalt  }
0x7d: {  	_ =	shalt  }
0x7e: {  	_ =	shalt  }
0x7f: {  	_ =	shalt  }
0x80: {  	_ =	shalt  }
0x81: {  	_ =	shalt  }
0x82: {  	_ =	shalt  }
0x83: {  	_ =	shalt  }
0x84: {  	_ =	shalt  }
0x85: {  	_ =	shalt  }
0x86: {  	_ =	shalt  }
0x87: {  	_ =	shalt  }
.Lfunc_end0:
.L_simem_size_0:
called_computation_lowered:
.L_overlay_start_0:
0x88: {  	s2 =	sld [smem:$0x3FD9]  }
0x89: {  	s3 =	sld [smem:$0x3FFE];
	_ =	sdelay $0x1  }
0x8a: {  	s1 =	srdreg.scid  }
0x8b: {  	s0 =	sand.u32 $0x1, s1  }
0x8c: {  	s17 =	sshll.u32 s0, $0xA;
	s2 =	sadd.s32 s3, s2  }
0x8d: {  	s2 =	sadd.s32 s2, s17  }
0x8e: {  	[smem:$0x3FC6] =	sst s2  }
0x8f: {  	_ = 	snop  }
0x90: {  	s2 =	sld [smem:$0x3FC8]  }
0x91: {  	s18 =	sld [smem:$0x3FD0];
	(tm) =	ssettm $0x1  }
0x92: {  	s4 =	sld [smem:$0x3FFB];
	_ =	sdelay $0x3  }
0x93: {  	_ =	strace s4  }
0x94: {  	s4 =	sld [smem:$0x3FFC];
	_ =	sdelay $0x3  }
0x95: {  	_ =	strace s4  }
0x96: {  	s4 =	sld [smem:$0x3FFD];
	_ =	sdelay $0x3  }
0x97: {  	_ =	strace s4  }
0x98: {  	_ =	strace $0x8FFFFFFF  }
0x99: {  	s19 =	sld [smem:$0x3FDB];
	_ =	sdelay $0x1  }
0x9a: {  	s5 =	simm.s32 $_scs_section_size  }
0x9b: {  	s6 =	simm.s32 $_size__tile_overlayer_lowered;
	s7 =	simm.s32 $_tile_overlayer_lowered  }
0x9c: {  	s22 =	simm.s32 $0x1BFF;
	s21 =	sshll.u32 s7, $0x1;
	s4 =	sadd.s32 s5, s19  }
0x9d: {  	s8 =	simm.s32 $0x0;
	s20 =	sshll.u32 s6, $0x1;
	s6 =	sadd.s32 s21, s4  }
0x9e: {  	[timem:s8], [sflag:s22] =	dma.local [hbm:s6], s20  }
0x9f: {  	_ =	swait.ge [sflag:s22], s20  }
0xa0: {  	s5 =	ssub.s32 $0x0, s20;
	[sflag:s22] =	ssyncset.done $0x0  }
0xa1: {  	[sflag:s22] =	ssyncadd.s32 s5;
	_ =	sdelay $0x1  }
0xa2: {  	s23 =	simm.s32 $0x1B8B  }
0xa3: {  	_ =	swait.ge [sflag:s23], $0x1  }
0xa4: {  	[sflag:s23] =	ssyncset.done $0x0  }
0xa5: {  	s25 =	simm.s32 $0x1B8E;
	s24 =	sld [smem:$0x3FFE];
	[sflag:s23] =	ssyncadd.s32 $0xFFFFFFFF  }
0xa6: {  	s26 =	simm.s32 $execute0_lowered;
	[smem:$0x3FD2] =	sst s25  }
0xa7: {  	s6 =	sshll.u32 s26, $0x1;
	_ =	strace $0x80000046;
	[dreg:$0x1] =	wrdreg $0xFFFFFFFF  }
0xa8: {  	s28 =	simm.s32 $_size_execute0_lowered;
	s4 =	sadd.s32 s4, s6;
	[dreg:$0x0] =	wrdreg $0x0  }
0xa9: {  	s6 =	sshll.u32 s28, $0x1;
	[dreg:$0x2] =	wrdreg s4  }
0xaa: {  	[dreg:$0x3] =	wrdreg s6  }
0xab: {  	[dreg:$0x4] =	wrdreg $0xC0  }
0xac: {  	_ =	task [dreg:s8], $0x5FFFF  }
0xad: {  	[dreg:$0x1] =	wrdreg $0xFFFFFFFF  }
0xae: {  	[dreg:$0x0] =	wrdreg $0x60  }
0xaf: {  	[dreg:$0x2] =	wrdreg s24  }
0xb0: {  	[dreg:$0x3] =	wrdreg s2  }
0xb1: {  	[dreg:$0x4] =	wrdreg s18  }
0xb2: {  	[dreg:$0x5] =	wrdreg $0x9  }
0xb3: {  	_ =	task.clear_ibuf [dreg:s8], $0x6FFFF;
	_ =	strace $0x90000046  }
0xb4: {  	s29 =	simm.s32 $0x9;
	_ =	strace $0x80000048  }
0xb5: {  	_ =	swait.ge [sflag:s29], $0x1  }
0xb6: {  	[sflag:s29] =	ssyncadd.s32 $0xFFFFFFFF  }
0xb7: {  	_ =	strace $0x90000048  }
0xb8: {  	_ =	sfence  }
0xb9: {  	s30 =	sld [smem:$0x0];
	_ =	sdelay $0x2  }
0xba: {  	s31 =	sshll.u32 s1, $0xD;
	s1 =	sshrl.u32 s1, $0x2  }
0xbb: {  	s3 =	sand.u32 $0x4000, s31;
	s1 =	sadd.s32 s1, s30  }
0xbc: {  	s0 =	sor.u32 s3, s0;
	s1 =	sshll.u32 s1, $0x11  }
0xbd: {  	s0 =	sor.u32 s1, s0  }
0xbe: {  	s0 =	sadd.s32 $0x8F2B, s0  }
0xbf: {  	[sflag:s0] =	ssyncadd.remote.s32 $0x1  }
0xc0: {  	_ =	sfence.sel $0xFFFF  }
0xc1: {  	[dreg:$0x0] =	wrdreg $0xFFFFFFFF;
	(pc) =	sbr.abs _section_cstart, $3  }
0xc2: {  	[dreg:$0x1] =	wrdreg $0xFFFFFFFF  }
0xc3: {  	_ =	task.clear_ibuf [dreg:s8], $0x2FFFF;
	_ =	strace $0x9FFFFFFF  }
0xc4: {  	(tm) =	ssettm $0x7FFFFFFF  }
0xc5: {  	_ =	shalt  }
tec
execute0_lowered:
.L_overlay_start_1:
0x0: {  	(tag) =	ssettag $0x1  }
0x1: {  	s0 =	rddreg [dreg:$0x0]  }
0x2: {  	s1 =	srdreg.scid;
	s2 =	rddreg [dreg:$0x1]  }
0x3: {  	s9 =	stileid.u32;
	s4 =	rddreg [dreg:$0x2]  }
0x4: {  	s3 =	simm.s32 $0x0;
	s15 =	simm.s32 $0x400;
	s11 =	simm.s32 $0x2400  }
0x5: {  	s19 =	simm.s32 $0x4400;
	s10 =	simm.s32 $0x8400;
	s16 =	simm.s32 $0xA400  }
0x6: {  	s29 =	simm.s32 $0x6;
	s30 =	simm.s32 $0x7;
	s31 =	simm.s32 $0x8  }
0x7: {  	s12 =	simm.s32 $0xC;
	s13 =	simm.s32 $0xD;
	s14 =	simm.s32 $0xE  }
0x8: {  	s17 =	simm.s32 $0xF;
	s18 =	simm.s32 $0x10;
	s20 =	simm.s32 $0x0  }
0x9: {  	s23 =	simm.s32 $0x2400;
	s28 =	simm.s32 $0x4400;
	s1 =	sand.u32 $0x1, s1  }
0xa: {  	s5 =	sshll.u32 s9, $0xB;
	[smem:$0x7FF] =	sst s3;
	s7 =	sadd.s32 $0x300, s2  }
0xb: {  	s26 =	sshll.u32 s9, $0x12;
	s6 =	sshll.u32 s1, $0xA;
	s24 =	ssub.s32 $0x2, s1  }
0xc: {  	_ =	strace $0x80000047;
	s1 =	sshll.u32 s1, $0x11;
	s5 =	sor.u32 s6, s5  }
0xd: {  	s25 =	sshrl.u32 s24, $0x1;
	s6 =	sadd.s32 $0x200, s2;
	s5 =	sshrl.u32 s5, $0x3  }
0xe: {  	s8 =	ssub.s32 s24, s25;
	s24 =	simm.s32 $0x3;
	s25 =	simm.s32 $0x4  }
.Ltmp0:
0xf: {  	s0 =	sadd.s32 s5, s0;
	s8 =	smax.u32 s8, $0x1;
	(pc) =	sbr.rel .LBB2_1-.Ltmp0, $4  }
0x10: {  	s5 =	sadd.s32 $0x100, s2;
	s0 =	sadd.s32 $0x400, s0;
	[dreg:$0x5] =	wrdreg s8  }
0x11: {  	v0 =	vlaneseq.u32;
	s8 =	simm.s32 $0xB;
	[dreg:$0x4] =	wrdreg s0;
	s0 =	sadd.s32 s26, s4  }
0x12: {  	v1 =	vshrl.u32 v0, $0x3;
	s26 =	simm.s32 $0x5;
	s4 =	simm.s32 $0xA;
	s0 =	sadd.s32 s1, s0  }
0x13: {  	vm0 =	vmmov $0xffff;
	v0 =	vand.u32 $0x7, v0;
	v1 =	vmul.u32 $0x8, v1;
	s1 =	simm.s32 $0x6400;
	[dreg:$0x6] =	wrdreg s0;
	s0 =	simm.s32 $0x9  }
.LBB2_4:
0x14: {  	_ =	swait.ge [sflag:s4], $0x2000  }
0x15: {  	[sflag:s4] =	ssyncset.done $0x0  }
0x16: {  	[sflag:s4] =	ssyncadd.s32 $0xFFFFE000  }
0x17: {  	_ =	swait.ge [sflag:s8], $0x2000  }
0x18: {  	[sflag:s8] =	ssyncset.done $0x0  }
0x19: {  	[sflag:s8] =	ssyncadd.s32 $0xFFFFE000  }
0x1a: {  	_ =	swait.ge [sflag:s12], $0x2000  }
0x1b: {  	[sflag:s12] =	ssyncset.done $0x0  }
0x1c: {  	[sflag:s12] =	ssyncadd.s32 $0xFFFFE000  }
0x1d: {  	_ =	swait.ge [sflag:s13], $0x2000  }
0x1e: {  	[sflag:s13] =	ssyncset.done $0x0  }
0x1f: {  	[sflag:s13] =	ssyncadd.s32 $0xFFFFE000  }
0x20: {  	_ =	swait.ge [sflag:s14], $0x2000  }
0x21: {  	[sflag:s14] =	ssyncset.done $0x0  }
0x22: {  	[sflag:s14] =	ssyncadd.s32 $0xFFFFE000  }
0x23: {  	_ =	swait.ge [sflag:s17], $0x2000  }
0x24: {  	[sflag:s17] =	ssyncset.done $0x0  }
0x25: {  	[sflag:s17] =	ssyncadd.s32 $0xFFFFE000  }
0x26: {  	_ =	swait.ge [sflag:s18], $0x2000  }
0x27: {  	s20 =	rddreg [dreg:$0x7]  }
0x28: {  	s9 =	rddreg [dreg:$0x5];
	s20 =	sadd.s32 $0x1, s20  }
0x29: {  	p0 =	sne.s32 s20, s9  }
.Ltmp1:
0x2a: {  	_ = 	snop;
	(pc) =	sbr.rel @!p0 .LBB2_5-.Ltmp1, $4  }
0x2b: {  	_ = 	snop  }
0x2c: {  	s15 =	simm.s32 $0x400;
	s11 =	simm.s32 $0x2400  }
0x2d: {  	s19 =	simm.s32 $0x4400;
	s1 =	simm.s32 $0x6400;
	[sflag:s18] =	ssyncset.done $0x0  }
0x2e: {  	s10 =	simm.s32 $0x8400;
	s16 =	simm.s32 $0xA400;
	[sflag:s18] =	ssyncadd.s32 $0xFFFFE000  }
.LBB2_1:
0x2f: {  	[dreg:$0x7] =	wrdreg s20  }
0x30: {  	s9 =	rddreg [dreg:$0x4];
	s22 =	simm.s32 $0x11  }
0x31: {  	[tilespmem:s3], [sflag:$0x11] =	stream.linear.gather [hbm4b:s9+s3], $0x400, $0x38;
	[tilespmem:$0x10400] =	vst v63  }
0x32: {  	_ =	swait.ge [sflag:s22], $0x400  }
0x33: {  	[sflag:s22] =	ssyncset.done $0x0  }
0x34: {  	[sflag:s22] =	ssyncadd.s32 $0xFFFFFC00  }
0x35: {  	v2 =	vld.msk [tilespmem:$0x0], $0xff;
	_ =	sdelay $0x4  }
0x36: {  	v3 =	vshll.u32 v2, $0x3  }
0x37: {  	v2 =	vand.u32 $0x7, v2;
	v3 =	vand.u32 $0xFFFFFFC0, v3  }
0x38: {  	v2 =	vor.u32 v2, v3  }
0x39: {  	v2 =	vperm.xlane v2, v0;
	_ =	sdelay $0x1  }
0x3a: {  	v2 =	vadd.s32 v1, v2;
	_ =	sdelay $0x4  }
0x3b: {  	[tilespmem:s15], [sflag:$0x1] =	stream.indirect_vreg.gather [hbm4b:s2+s3], $0x80, v2, vm0, $0xb8;
	[tilespmem:$0x10400] =	vst v63  }
0x3c: {  	s20 =	simm.s32 $0xC00  }
0x3d: {  	[tilespmem:s20], [sflag:$0x1] =	stream.indirect_vreg.gather [hbm4b:s5+s3], $0x80, v2, vm0, $0xb8;
	[tilespmem:$0x10400] =	vst v63  }
0x3e: {  	s21 =	simm.s32 $0x1400  }
0x3f: {  	[tilespmem:s21], [sflag:$0x1] =	stream.indirect_vreg.gather [hbm4b:s6+s3], $0x80, v2, vm0, $0xb8;
	[tilespmem:$0x10400] =	vst v63  }
0x40: {  	s22 =	simm.s32 $0x1C00  }
0x41: {  	[tilespmem:s22], [sflag:$0x1] =	stream.indirect_vreg.gather [hbm4b:s7+s3], $0x80, v2, vm0, $0xb8;
	[tilespmem:$0x10400] =	vst v63  }
0x42: {  	v2 =	vld.msk [tilespmem:$0x8], $0xff;
	_ =	sdelay $0x4  }
0x43: {  	v3 =	vshll.u32 v2, $0x3  }
0x44: {  	v2 =	vand.u32 $0x7, v2;
	v3 =	vand.u32 $0xFFFFFFC0, v3  }
0x45: {  	v2 =	vor.u32 v2, v3  }
0x46: {  	v2 =	vperm.xlane v2, v0;
	_ =	sdelay $0x1  }
0x47: {  	v2 =	vadd.s32 v1, v2;
	_ =	sdelay $0x4  }
0x48: {  	[tilespmem:s11], [sflag:$0x2] =	stream.indirect_vreg.gather [hbm4b:s2+s3], $0x80, v2, vm0, $0xb8;
	[tilespmem:$0x10400] =	vst v63  }
0x49: {  	s20 =	simm.s32 $0x2C00  }
0x4a: {  	[tilespmem:s20], [sflag:$0x2] =	stream.indirect_vreg.gather [hbm4b:s5+s3], $0x80, v2, vm0, $0xb8;
	[tilespmem:$0x10400] =	vst v63  }
0x4b: {  	s21 =	simm.s32 $0x3400  }
0x4c: {  	[tilespmem:s21], [sflag:$0x2] =	stream.indirect_vreg.gather [hbm4b:s6+s3], $0x80, v2, vm0, $0xb8;
	[tilespmem:$0x10400] =	vst v63  }
0x4d: {  	s22 =	simm.s32 $0x3C00  }
0x4e: {  	[tilespmem:s22], [sflag:$0x2] =	stream.indirect_vreg.gather [hbm4b:s7+s3], $0x80, v2, vm0, $0xb8;
	[tilespmem:$0x10400] =	vst v63  }
0x4f: {  	v2 =	vld.msk [tilespmem:$0x10], $0xff;
	_ =	sdelay $0x4  }
0x50: {  	v3 =	vshll.u32 v2, $0x3  }
0x51: {  	v2 =	vand.u32 $0x7, v2;
	v3 =	vand.u32 $0xFFFFFFC0, v3  }
0x52: {  	v2 =	vor.u32 v2, v3  }
0x53: {  	v2 =	vperm.xlane v2, v0;
	_ =	sdelay $0x1  }
0x54: {  	v2 =	vadd.s32 v1, v2;
	_ =	sdelay $0x4  }
0x55: {  	[tilespmem:s19], [sflag:$0x3] =	stream.indirect_vreg.gather [hbm4b:s2+s3], $0x80, v2, vm0, $0xb8;
	[tilespmem:$0x10400] =	vst v63  }
0x56: {  	s11 =	simm.s32 $0x4C00  }
0x57: {  	[tilespmem:s11], [sflag:$0x3] =	stream.indirect_vreg.gather [hbm4b:s5+s3], $0x80, v2, vm0, $0xb8;
	[tilespmem:$0x10400] =	vst v63  }
0x58: {  	s19 =	simm.s32 $0x5400  }
0x59: {  	[tilespmem:s19], [sflag:$0x3] =	stream.indirect_vreg.gather [hbm4b:s6+s3], $0x80, v2, vm0, $0xb8;
	[tilespmem:$0x10400] =	vst v63  }
0x5a: {  	s20 =	simm.s32 $0x5C00  }
0x5b: {  	[tilespmem:s20], [sflag:$0x3] =	stream.indirect_vreg.gather [hbm4b:s7+s3], $0x80, v2, vm0, $0xb8;
	[tilespmem:$0x10400] =	vst v63  }
0x5c: {  	v2 =	vld.msk [tilespmem:$0x18], $0xff;
	_ =	sdelay $0x4  }
0x5d: {  	v3 =	vshll.u32 v2, $0x3  }
0x5e: {  	v2 =	vand.u32 $0x7, v2;
	v3 =	vand.u32 $0xFFFFFFC0, v3  }
0x5f: {  	v2 =	vor.u32 v2, v3  }
0x60: {  	v2 =	vperm.xlane v2, v0;
	_ =	sdelay $0x1  }
0x61: {  	v2 =	vadd.s32 v1, v2;
	_ =	sdelay $0x4  }
0x62: {  	[tilespmem:s1], [sflag:$0x4] =	stream.indirect_vreg.gather [hbm4b:s2+s3], $0x80, v2, vm0, $0xb8;
	[tilespmem:$0x10400] =	vst v63  }
0x63: {  	s21 =	simm.s32 $0x6C00  }
0x64: {  	[tilespmem:s21], [sflag:$0x4] =	stream.indirect_vreg.gather [hbm4b:s5+s3], $0x80, v2, vm0, $0xb8;
	[tilespmem:$0x10400] =	vst v63  }
0x65: {  	s22 =	simm.s32 $0x7400  }
0x66: {  	[tilespmem:s22], [sflag:$0x4] =	stream.indirect_vreg.gather [hbm4b:s6+s3], $0x80, v2, vm0, $0xb8;
	[tilespmem:$0x10400] =	vst v63  }
0x67: {  	s9 =	simm.s32 $0x7C00  }
0x68: {  	[tilespmem:s9], [sflag:$0x4] =	stream.indirect_vreg.gather [hbm4b:s7+s3], $0x80, v2, vm0, $0xb8;
	[tilespmem:$0x10400] =	vst v63  }
0x69: {  	v2 =	vld.msk [tilespmem:$0x20], $0xff;
	_ =	sdelay $0x4  }
0x6a: {  	v3 =	vshll.u32 v2, $0x3  }
0x6b: {  	v2 =	vand.u32 $0x7, v2;
	v3 =	vand.u32 $0xFFFFFFC0, v3  }
0x6c: {  	v2 =	vor.u32 v2, v3  }
0x6d: {  	v2 =	vperm.xlane v2, v0;
	_ =	sdelay $0x1  }
0x6e: {  	v2 =	vadd.s32 v1, v2;
	_ =	sdelay $0x4  }
0x6f: {  	[tilespmem:s10], [sflag:$0x5] =	stream.indirect_vreg.gather [hbm4b:s2+s3], $0x80, v2, vm0, $0xb8;
	[tilespmem:$0x10400] =	vst v63  }
0x70: {  	s10 =	simm.s32 $0x8C00  }
0x71: {  	[tilespmem:s10], [sflag:$0x5] =	stream.indirect_vreg.gather [hbm4b:s5+s3], $0x80, v2, vm0, $0xb8;
	[tilespmem:$0x10400] =	vst v63  }
0x72: {  	s11 =	simm.s32 $0x9400  }
0x73: {  	[tilespmem:s11], [sflag:$0x5] =	stream.indirect_vreg.gather [hbm4b:s6+s3], $0x80, v2, vm0, $0xb8;
	[tilespmem:$0x10400] =	vst v63  }
0x74: {  	s19 =	simm.s32 $0x9C00  }
0x75: {  	[tilespmem:s19], [sflag:$0x5] =	stream.indirect_vreg.gather [hbm4b:s7+s3], $0x80, v2, vm0, $0xb8;
	[tilespmem:$0x10400] =	vst v63  }
0x76: {  	v2 =	vld.msk [tilespmem:$0x28], $0xff;
	_ =	sdelay $0x4  }
0x77: {  	v3 =	vshll.u32 v2, $0x3  }
0x78: {  	v2 =	vand.u32 $0x7, v2;
	v3 =	vand.u32 $0xFFFFFFC0, v3  }
0x79: {  	v2 =	vor.u32 v2, v3  }
0x7a: {  	v2 =	vperm.xlane v2, v0;
	_ =	sdelay $0x1  }
0x7b: {  	v2 =	vadd.s32 v1, v2;
	_ =	sdelay $0x4  }
0x7c: {  	[tilespmem:s16], [sflag:$0x6] =	stream.indirect_vreg.gather [hbm4b:s2+s3], $0x80, v2, vm0, $0xb8;
	[tilespmem:$0x10400] =	vst v63  }
0x7d: {  	s20 =	simm.s32 $0xAC00  }
0x7e: {  	[tilespmem:s20], [sflag:$0x6] =	stream.indirect_vreg.gather [hbm4b:s5+s3], $0x80, v2, vm0, $0xb8;
	[tilespmem:$0x10400] =	vst v63  }
0x7f: {  	s21 =	simm.s32 $0xB400  }
0x80: {  	[tilespmem:s21], [sflag:$0x6] =	stream.indirect_vreg.gather [hbm4b:s6+s3], $0x80, v2, vm0, $0xb8;
	[tilespmem:$0x10400] =	vst v63  }
0x81: {  	s22 =	simm.s32 $0xBC00  }
0x82: {  	[tilespmem:s22], [sflag:$0x6] =	stream.indirect_vreg.gather [hbm4b:s7+s3], $0x80, v2, vm0, $0xb8;
	[tilespmem:$0x10400] =	vst v63  }
0x83: {  	v2 =	vld.msk [tilespmem:$0x30], $0xff;
	_ =	sdelay $0x4  }
0x84: {  	v3 =	vshll.u32 v2, $0x3  }
0x85: {  	v2 =	vand.u32 $0x7, v2;
	v3 =	vand.u32 $0xFFFFFFC0, v3  }
0x86: {  	v2 =	vor.u32 v2, v3  }
0x87: {  	v2 =	vperm.xlane v2, v0;
	_ =	sdelay $0x1  }
0x88: {  	v2 =	vadd.s32 v1, v2;
	_ =	sdelay $0x3  }
0x89: {  	s21 =	simm.s32 $0xC400  }
0x8a: {  	[tilespmem:s21], [sflag:$0x7] =	stream.indirect_vreg.gather [hbm4b:s2+s3], $0x80, v2, vm0, $0xb8;
	[tilespmem:$0x10400] =	vst v63  }
0x8b: {  	s9 =	simm.s32 $0xCC00  }
0x8c: {  	[tilespmem:s9], [sflag:$0x7] =	stream.indirect_vreg.gather [hbm4b:s5+s3], $0x80, v2, vm0, $0xb8;
	[tilespmem:$0x10400] =	vst v63  }
0x8d: {  	s10 =	simm.s32 $0xD400  }
0x8e: {  	[tilespmem:s10], [sflag:$0x7] =	stream.indirect_vreg.gather [hbm4b:s6+s3], $0x80, v2, vm0, $0xb8;
	[tilespmem:$0x10400] =	vst v63  }
0x8f: {  	s11 =	simm.s32 $0xDC00  }
0x90: {  	[tilespmem:s11], [sflag:$0x7] =	stream.indirect_vreg.gather [hbm4b:s7+s3], $0x80, v2, vm0, $0xb8;
	[tilespmem:$0x10400] =	vst v63  }
0x91: {  	v2 =	vld.msk [tilespmem:$0x38], $0xff;
	_ =	sdelay $0x4  }
0x92: {  	v3 =	vshll.u32 v2, $0x3  }
0x93: {  	v2 =	vand.u32 $0x7, v2;
	v3 =	vand.u32 $0xFFFFFFC0, v3  }
0x94: {  	v2 =	vor.u32 v2, v3  }
0x95: {  	v2 =	vperm.xlane v2, v0;
	_ =	sdelay $0x1  }
0x96: {  	v2 =	vadd.s32 v1, v2;
	_ =	sdelay $0x3  }
0x97: {  	s22 =	simm.s32 $0xE400  }
0x98: {  	[tilespmem:s22], [sflag:$0x8] =	stream.indirect_vreg.gather [hbm4b:s2+s3], $0x80, v2, vm0, $0xb8;
	[tilespmem:$0x10400] =	vst v63  }
0x99: {  	s16 =	simm.s32 $0xEC00  }
0x9a: {  	[tilespmem:s16], [sflag:$0x8] =	stream.indirect_vreg.gather [hbm4b:s5+s3], $0x80, v2, vm0, $0xb8;
	[tilespmem:$0x10400] =	vst v63  }
0x9b: {  	s19 =	simm.s32 $0xF400  }
0x9c: {  	[tilespmem:s19], [sflag:$0x8] =	stream.indirect_vreg.gather [hbm4b:s6+s3], $0x80, v2, vm0, $0xb8;
	[tilespmem:$0x10400] =	vst v63  }
0x9d: {  	s1 =	simm.s32 $0x6400;
	s20 =	simm.s32 $0xFC00;
	s9 =	simm.s32 $0x0  }
0x9e: {  	[tilespmem:s20], [sflag:$0x8] =	stream.indirect_vreg.gather [hbm4b:s7+s3], $0x80, v2, vm0, $0xb8;
	[tilespmem:$0x10400] =	vst v63  }
0x9f: {  	s10 =	simm.s32 $0x8400;
	s16 =	simm.s32 $0xA400;
	s20 =	simm.s32 $0x78  }
.LBB2_2:
0xa0: {  	s11 =	simm.s32 $0x1  }
0xa1: {  	_ =	swait.ge [sflag:s11], $0x2000  }
0xa2: {  	[sflag:s11] =	ssyncset.done $0x0;
	s19 =	rddreg [dreg:$0x6]  }
0xa3: {  	[sflag:s11] =	ssyncadd.s32 $0xFFFFE000;
	s11 =	sadd.s32 s9, s19;
	s19 =	simm.s32 $0x2  }
0xa4: {  	[hbm4b:s11+s3] =	stream.linear.scatter [tilespmem:s15], [sflag:$0x9], $0x2000, $0x38;
	[tilespmem:$0x10400] =	vst v63  }
0xa5: {  	_ =	swait.ge [sflag:s19], $0x2000  }
0xa6: {  	[sflag:s19] =	ssyncset.done $0x0  }
0xa7: {  	s15 =	sadd.s32 $0x400, s11;
	[sflag:s19] =	ssyncadd.s32 $0xFFFFE000  }
0xa8: {  	[hbm4b:s15+s3] =	stream.linear.scatter [tilespmem:s23], [sflag:$0xA], $0x2000, $0x38;
	[tilespmem:$0x10400] =	vst v63  }
0xa9: {  	_ =	swait.ge [sflag:s24], $0x2000  }
0xaa: {  	[sflag:s24] =	ssyncset.done $0x0  }
0xab: {  	s15 =	sadd.s32 $0x800, s11;
	[sflag:s24] =	ssyncadd.s32 $0xFFFFE000  }
0xac: {  	[hbm4b:s15+s3] =	stream.linear.scatter [tilespmem:s28], [sflag:$0xB], $0x2000, $0x38;
	[tilespmem:$0x10400] =	vst v63  }
0xad: {  	_ =	swait.ge [sflag:s25], $0x2000  }
0xae: {  	[sflag:s25] =	ssyncset.done $0x0  }
0xaf: {  	s15 =	sadd.s32 $0xC00, s11;
	[sflag:s25] =	ssyncadd.s32 $0xFFFFE000  }
0xb0: {  	[hbm4b:s15+s3] =	stream.linear.scatter [tilespmem:s1], [sflag:$0xC], $0x2000, $0x38;
	[tilespmem:$0x10400] =	vst v63  }
0xb1: {  	_ =	swait.ge [sflag:s26], $0x2000  }
0xb2: {  	[sflag:s26] =	ssyncset.done $0x0  }
0xb3: {  	s15 =	sadd.s32 $0x1000, s11;
	[sflag:s26] =	ssyncadd.s32 $0xFFFFE000  }
0xb4: {  	[hbm4b:s15+s3] =	stream.linear.scatter [tilespmem:s10], [sflag:$0xD], $0x2000, $0x38;
	[tilespmem:$0x10400] =	vst v63  }
0xb5: {  	_ =	swait.ge [sflag:s29], $0x2000  }
0xb6: {  	[sflag:s29] =	ssyncset.done $0x0  }
0xb7: {  	s15 =	sadd.s32 $0x1400, s11;
	[sflag:s29] =	ssyncadd.s32 $0xFFFFE000  }
0xb8: {  	[hbm4b:s15+s3] =	stream.linear.scatter [tilespmem:s16], [sflag:$0xE], $0x2000, $0x38;
	[tilespmem:$0x10400] =	vst v63  }
0xb9: {  	_ =	swait.ge [sflag:s30], $0x2000  }
0xba: {  	[sflag:s30] =	ssyncset.done $0x0  }
0xbb: {  	s15 =	sadd.s32 $0x1800, s11;
	[sflag:s30] =	ssyncadd.s32 $0xFFFFE000  }
0xbc: {  	[hbm4b:s15+s3] =	stream.linear.scatter [tilespmem:s21], [sflag:$0xF], $0x2000, $0x38;
	[tilespmem:$0x10400] =	vst v63  }
0xbd: {  	_ =	swait.ge [sflag:s31], $0x2000  }
0xbe: {  	p0 =	seq.s32 s9, $0x1E000;
	[sflag:s31] =	ssyncset.done $0x0  }
.Ltmp2:
0xbf: {  	s11 =	sadd.s32 $0x1C00, s11;
	[sflag:s31] =	ssyncadd.s32 $0xFFFFE000;
	(pc) =	sbr.rel @p0 .LBB2_4-.Ltmp2, $4  }
0xc0: {  	[hbm4b:s11+s3] =	stream.linear.scatter [tilespmem:s22], [sflag:$0x10], $0x2000, $0x38;
	[tilespmem:$0x10400] =	vst v63  }
0xc1: {  	_ =	swait.ge [sflag:s0], $0x2000  }
0xc2: {  	s19 =	simm.s32 $0x400;
	[sflag:s0] =	ssyncset.done $0x0  }
0xc3: {  	s15 =	simm.s32 $0xC400;
	s21 =	simm.s32 $0xE400;
	[sflag:s0] =	ssyncadd.s32 $0xFFFFE000  }
0xc4: {  	v2 =	vld.msk [tilespmem:s20+$0xFFFFFFC8], $0xff;
	_ =	sdelay $0x4  }
0xc5: {  	v3 =	vshll.u32 v2, $0x3  }
0xc6: {  	v2 =	vand.u32 $0x7, v2;
	v3 =	vand.u32 $0xFFFFFFC0, v3  }
0xc7: {  	v2 =	vor.u32 v2, v3  }
0xc8: {  	v2 =	vperm.xlane v2, v0;
	_ =	sdelay $0x1  }
0xc9: {  	v2 =	vadd.s32 v1, v2;
	_ =	sdelay $0x4  }
0xca: {  	[tilespmem:s19], [sflag:$0x1] =	stream.indirect_vreg.gather [hbm4b:s2+s3], $0x80, v2, vm0, $0xb8;
	[tilespmem:$0x10400] =	vst v63  }
0xcb: {  	s11 =	simm.s32 $0xC00  }
0xcc: {  	[tilespmem:s11], [sflag:$0x1] =	stream.indirect_vreg.gather [hbm4b:s5+s3], $0x80, v2, vm0, $0xb8;
	[tilespmem:$0x10400] =	vst v63  }
0xcd: {  	s22 =	simm.s32 $0x1400  }
0xce: {  	[tilespmem:s22], [sflag:$0x1] =	stream.indirect_vreg.gather [hbm4b:s6+s3], $0x80, v2, vm0, $0xb8;
	[tilespmem:$0x10400] =	vst v63  }
0xcf: {  	s19 =	simm.s32 $0x1C00  }
0xd0: {  	[tilespmem:s19], [sflag:$0x1] =	stream.indirect_vreg.gather [hbm4b:s7+s3], $0x80, v2, vm0, $0xb8;
	[tilespmem:$0x10400] =	vst v63  }
0xd1: {  	_ =	swait.ge [sflag:s4], $0x2000  }
0xd2: {  	[sflag:s4] =	ssyncset.done $0x0  }
0xd3: {  	[sflag:s4] =	ssyncadd.s32 $0xFFFFE000  }
0xd4: {  	v2 =	vld.msk [tilespmem:s20+$0xFFFFFFD0], $0xff;
	_ =	sdelay $0x4  }
0xd5: {  	v3 =	vshll.u32 v2, $0x3  }
0xd6: {  	v2 =	vand.u32 $0x7, v2;
	v3 =	vand.u32 $0xFFFFFFC0, v3  }
0xd7: {  	v2 =	vor.u32 v2, v3  }
0xd8: {  	v2 =	vperm.xlane v2, v0;
	_ =	sdelay $0x1  }
0xd9: {  	v2 =	vadd.s32 v1, v2;
	_ =	sdelay $0x4  }
0xda: {  	[tilespmem:s23], [sflag:$0x2] =	stream.indirect_vreg.gather [hbm4b:s2+s3], $0x80, v2, vm0, $0xb8;
	[tilespmem:$0x10400] =	vst v63  }
0xdb: {  	s22 =	simm.s32 $0x2C00  }
0xdc: {  	[tilespmem:s22], [sflag:$0x2] =	stream.indirect_vreg.gather [hbm4b:s5+s3], $0x80, v2, vm0, $0xb8;
	[tilespmem:$0x10400] =	vst v63  }
0xdd: {  	s19 =	simm.s32 $0x3400  }
0xde: {  	[tilespmem:s19], [sflag:$0x2] =	stream.indirect_vreg.gather [hbm4b:s6+s3], $0x80, v2, vm0, $0xb8;
	[tilespmem:$0x10400] =	vst v63  }
0xdf: {  	s22 =	simm.s32 $0x3C00  }
0xe0: {  	[tilespmem:s22], [sflag:$0x2] =	stream.indirect_vreg.gather [hbm4b:s7+s3], $0x80, v2, vm0, $0xb8;
	[tilespmem:$0x10400] =	vst v63  }
0xe1: {  	_ =	swait.ge [sflag:s8], $0x2000  }
0xe2: {  	[sflag:s8] =	ssyncset.done $0x0  }
0xe3: {  	[sflag:s8] =	ssyncadd.s32 $0xFFFFE000  }
0xe4: {  	v2 =	vld.msk [tilespmem:s20+$0xFFFFFFD8], $0xff;
	_ =	sdelay $0x4  }
0xe5: {  	v3 =	vshll.u32 v2, $0x3  }
0xe6: {  	v2 =	vand.u32 $0x7, v2;
	v3 =	vand.u32 $0xFFFFFFC0, v3  }
0xe7: {  	v2 =	vor.u32 v2, v3  }
0xe8: {  	v2 =	vperm.xlane v2, v0;
	_ =	sdelay $0x1  }
0xe9: {  	v2 =	vadd.s32 v1, v2;
	_ =	sdelay $0x4  }
0xea: {  	[tilespmem:s28], [sflag:$0x3] =	stream.indirect_vreg.gather [hbm4b:s2+s3], $0x80, v2, vm0, $0xb8;
	[tilespmem:$0x10400] =	vst v63  }
0xeb: {  	s19 =	simm.s32 $0x4C00  }
0xec: {  	[tilespmem:s19], [sflag:$0x3] =	stream.indirect_vreg.gather [hbm4b:s5+s3], $0x80, v2, vm0, $0xb8;
	[tilespmem:$0x10400] =	vst v63  }
0xed: {  	s22 =	simm.s32 $0x5400  }
0xee: {  	[tilespmem:s22], [sflag:$0x3] =	stream.indirect_vreg.gather [hbm4b:s6+s3], $0x80, v2, vm0, $0xb8;
	[tilespmem:$0x10400] =	vst v63  }
0xef: {  	s19 =	simm.s32 $0x5C00  }
0xf0: {  	[tilespmem:s19], [sflag:$0x3] =	stream.indirect_vreg.gather [hbm4b:s7+s3], $0x80, v2, vm0, $0xb8;
	[tilespmem:$0x10400] =	vst v63  }
0xf1: {  	_ =	swait.ge [sflag:s12], $0x2000  }
0xf2: {  	[sflag:s12] =	ssyncset.done $0x0  }
0xf3: {  	[sflag:s12] =	ssyncadd.s32 $0xFFFFE000  }
0xf4: {  	v2 =	vld.msk [tilespmem:s20+$0xFFFFFFE0], $0xff;
	_ =	sdelay $0x4  }
0xf5: {  	v3 =	vshll.u32 v2, $0x3  }
0xf6: {  	v2 =	vand.u32 $0x7, v2;
	v3 =	vand.u32 $0xFFFFFFC0, v3  }
0xf7: {  	v2 =	vor.u32 v2, v3  }
0xf8: {  	v2 =	vperm.xlane v2, v0;
	_ =	sdelay $0x1  }
0xf9: {  	v2 =	vadd.s32 v1, v2;
	_ =	sdelay $0x4  }
0xfa: {  	[tilespmem:s1], [sflag:$0x4] =	stream.indirect_vreg.gather [hbm4b:s2+s3], $0x80, v2, vm0, $0xb8;
	[tilespmem:$0x10400] =	vst v63  }
0xfb: {  	s22 =	simm.s32 $0x6C00  }
0xfc: {  	[tilespmem:s22], [sflag:$0x4] =	stream.indirect_vreg.gather [hbm4b:s5+s3], $0x80, v2, vm0, $0xb8;
	[tilespmem:$0x10400] =	vst v63  }
0xfd: {  	s19 =	simm.s32 $0x7400  }
0xfe: {  	[tilespmem:s19], [sflag:$0x4] =	stream.indirect_vreg.gather [hbm4b:s6+s3], $0x80, v2, vm0, $0xb8;
	[tilespmem:$0x10400] =	vst v63  }
0xff: {  	s22 =	simm.s32 $0x7C00  }
0x100: {  	[tilespmem:s22], [sflag:$0x4] =	stream.indirect_vreg.gather [hbm4b:s7+s3], $0x80, v2, vm0, $0xb8;
	[tilespmem:$0x10400] =	vst v63  }
0x101: {  	_ =	swait.ge [sflag:s13], $0x2000  }
0x102: {  	[sflag:s13] =	ssyncset.done $0x0  }
0x103: {  	[sflag:s13] =	ssyncadd.s32 $0xFFFFE000  }
0x104: {  	v2 =	vld.msk [tilespmem:s20+$0xFFFFFFE8], $0xff;
	_ =	sdelay $0x4  }
0x105: {  	v3 =	vshll.u32 v2, $0x3  }
0x106: {  	v2 =	vand.u32 $0x7, v2;
	v3 =	vand.u32 $0xFFFFFFC0, v3  }
0x107: {  	v2 =	vor.u32 v2, v3  }
0x108: {  	v2 =	vperm.xlane v2, v0;
	_ =	sdelay $0x1  }
0x109: {  	v2 =	vadd.s32 v1, v2;
	_ =	sdelay $0x4  }
0x10a: {  	[tilespmem:s10], [sflag:$0x5] =	stream.indirect_vreg.gather [hbm4b:s2+s3], $0x80, v2, vm0, $0xb8;
	[tilespmem:$0x10400] =	vst v63  }
0x10b: {  	s19 =	simm.s32 $0x8C00  }
0x10c: {  	[tilespmem:s19], [sflag:$0x5] =	stream.indirect_vreg.gather [hbm4b:s5+s3], $0x80, v2, vm0, $0xb8;
	[tilespmem:$0x10400] =	vst v63  }
0x10d: {  	s22 =	simm.s32 $0x9400  }
0x10e: {  	[tilespmem:s22], [sflag:$0x5] =	stream.indirect_vreg.gather [hbm4b:s6+s3], $0x80, v2, vm0, $0xb8;
	[tilespmem:$0x10400] =	vst v63  }
0x10f: {  	s19 =	simm.s32 $0x9C00  }
0x110: {  	[tilespmem:s19], [sflag:$0x5] =	stream.indirect_vreg.gather [hbm4b:s7+s3], $0x80, v2, vm0, $0xb8;
	[tilespmem:$0x10400] =	vst v63  }
0x111: {  	_ =	swait.ge [sflag:s14], $0x2000  }
0x112: {  	[sflag:s14] =	ssyncset.done $0x0  }
0x113: {  	[sflag:s14] =	ssyncadd.s32 $0xFFFFE000  }
0x114: {  	v2 =	vld.msk [tilespmem:s20+$0xFFFFFFF0], $0xff;
	_ =	sdelay $0x4  }
0x115: {  	v3 =	vshll.u32 v2, $0x3  }
0x116: {  	v2 =	vand.u32 $0x7, v2;
	v3 =	vand.u32 $0xFFFFFFC0, v3  }
0x117: {  	v2 =	vor.u32 v2, v3  }
0x118: {  	v2 =	vperm.xlane v2, v0;
	_ =	sdelay $0x1  }
0x119: {  	v2 =	vadd.s32 v1, v2;
	_ =	sdelay $0x4  }
0x11a: {  	[tilespmem:s16], [sflag:$0x6] =	stream.indirect_vreg.gather [hbm4b:s2+s3], $0x80, v2, vm0, $0xb8;
	[tilespmem:$0x10400] =	vst v63  }
0x11b: {  	s22 =	simm.s32 $0xAC00  }
0x11c: {  	[tilespmem:s22], [sflag:$0x6] =	stream.indirect_vreg.gather [hbm4b:s5+s3], $0x80, v2, vm0, $0xb8;
	[tilespmem:$0x10400] =	vst v63  }
0x11d: {  	s19 =	simm.s32 $0xB400  }
0x11e: {  	[tilespmem:s19], [sflag:$0x6] =	stream.indirect_vreg.gather [hbm4b:s6+s3], $0x80, v2, vm0, $0xb8;
	[tilespmem:$0x10400] =	vst v63  }
0x11f: {  	s22 =	simm.s32 $0xBC00  }
0x120: {  	[tilespmem:s22], [sflag:$0x6] =	stream.indirect_vreg.gather [hbm4b:s7+s3], $0x80, v2, vm0, $0xb8;
	[tilespmem:$0x10400] =	vst v63  }
0x121: {  	_ =	swait.ge [sflag:s17], $0x2000  }
0x122: {  	[sflag:s17] =	ssyncset.done $0x0  }
0x123: {  	[sflag:s17] =	ssyncadd.s32 $0xFFFFE000  }
0x124: {  	v2 =	vld.msk [tilespmem:s20+$0xFFFFFFF8], $0xff;
	_ =	sdelay $0x4  }
0x125: {  	v3 =	vshll.u32 v2, $0x3  }
0x126: {  	v2 =	vand.u32 $0x7, v2;
	v3 =	vand.u32 $0xFFFFFFC0, v3  }
0x127: {  	v2 =	vor.u32 v2, v3  }
0x128: {  	v2 =	vperm.xlane v2, v0;
	_ =	sdelay $0x1  }
0x129: {  	v2 =	vadd.s32 v1, v2;
	_ =	sdelay $0x4  }
0x12a: {  	[tilespmem:s15], [sflag:$0x7] =	stream.indirect_vreg.gather [hbm4b:s2+s3], $0x80, v2, vm0, $0xb8;
	[tilespmem:$0x10400] =	vst v63  }
0x12b: {  	s19 =	simm.s32 $0xCC00  }
0x12c: {  	[tilespmem:s19], [sflag:$0x7] =	stream.indirect_vreg.gather [hbm4b:s5+s3], $0x80, v2, vm0, $0xb8;
	[tilespmem:$0x10400] =	vst v63  }
0x12d: {  	s22 =	simm.s32 $0xD400  }
0x12e: {  	[tilespmem:s22], [sflag:$0x7] =	stream.indirect_vreg.gather [hbm4b:s6+s3], $0x80, v2, vm0, $0xb8;
	[tilespmem:$0x10400] =	vst v63  }
0x12f: {  	s15 =	simm.s32 $0xDC00  }
0x130: {  	[tilespmem:s15], [sflag:$0x7] =	stream.indirect_vreg.gather [hbm4b:s7+s3], $0x80, v2, vm0, $0xb8;
	[tilespmem:$0x10400] =	vst v63  }
0x131: {  	_ =	swait.ge [sflag:s18], $0x2000  }
0x132: {  	[sflag:s18] =	ssyncset.done $0x0  }
0x133: {  	[sflag:s18] =	ssyncadd.s32 $0xFFFFE000  }
0x134: {  	v2 =	vld.msk [tilespmem:s20+$0x0], $0xff;
	_ =	sdelay $0x4  }
0x135: {  	v3 =	vshll.u32 v2, $0x3  }
0x136: {  	v2 =	vand.u32 $0x7, v2;
	v3 =	vand.u32 $0xFFFFFFC0, v3  }
0x137: {  	v2 =	vor.u32 v2, v3  }
0x138: {  	v2 =	vperm.xlane v2, v0;
	_ =	sdelay $0x1  }
0x139: {  	v2 =	vadd.s32 v1, v2;
	_ =	sdelay $0x4  }
0x13a: {  	[tilespmem:s21], [sflag:$0x8] =	stream.indirect_vreg.gather [hbm4b:s2+s3], $0x80, v2, vm0, $0xb8;
	[tilespmem:$0x10400] =	vst v63  }
0x13b: {  	s19 =	simm.s32 $0xEC00  }
0x13c: {  	[tilespmem:s19], [sflag:$0x8] =	stream.indirect_vreg.gather [hbm4b:s5+s3], $0x80, v2, vm0, $0xb8;
	[tilespmem:$0x10400] =	vst v63  }
.Ltmp3:
0x13d: {  	s21 =	simm.s32 $0xF400;
	(pc) =	sbr.rel .LBB2_2-.Ltmp3, $4  }
0x13e: {  	[tilespmem:s21], [sflag:$0x8] =	stream.indirect_vreg.gather [hbm4b:s6+s3], $0x80, v2, vm0, $0xb8;
	[tilespmem:$0x10400] =	vst v63  }
0x13f: {  	s9 =	sadd.s32 $0x2000, s9;
	s22 =	simm.s32 $0xFC00;
	s15 =	simm.s32 $0x400  }
0x140: {  	[tilespmem:s22], [sflag:$0x8] =	stream.indirect_vreg.gather [hbm4b:s7+s3], $0x80, v2, vm0, $0xb8;
	[tilespmem:$0x10400] =	vst v63  }
0x141: {  	s20 =	sadd.s32 $0x40, s20;
	s21 =	simm.s32 $0xC400;
	s22 =	simm.s32 $0xE400  }
.LBB2_5:
0x142: {  	_ =	sfence.sel $0x180000  }
0x143: {  	[bflag:$0x0] =	sbarrier.arrive $0xFFFF  }
0x144: {  	_ =	strace $0x90000047  }
0x145: {  	s0 =	stileid.u32;
	[bflag:$0x2] =	sbarrier.arrive $0xFFFF  }
0x146: {  	p0 =	sne.s32 s0, $0x0;
	s0 =	rddreg [dreg:$0x3]  }
0x147: {  	s0 =	sadd.s32 @!p0 $0x100000, s0  }
0x148: {  	[sflag:s0] =	ssyncadd.tile.s32 @!p0 $0x1;
	_ =	shalt  }
.Lfunc_end2:
_tile_overlayer_lowered:
.L_overlay_start_2:
0x149: {  	(tag) =	ssettag $0x2  }
0x14a: {  	s0 =	rddreg [dreg:$0x0];
	s2 =	stileid.u32  }
0x14b: {  	s1 =	rddreg [dreg:$0x1];
	p0 =	sne.s32 s2, $0x0  }
0x14c: {  	s3 =	rddreg [dreg:$0x2];
	[bflag:$0x3] =	sbarrier.arrive $0xFFFF;
	s2 =	simm.s32 @!p0 $0x1C11  }
0x14d: {  	[timem:s3], [sflag:s2] =	dma.local @!p0 [hbm:s0], s1  }
0x14e: {  	s0 =	simm.s32 @!p0 $0x11  }
0x14f: {  	_ =	swait.ge @!p0 [sflag:s0], s1  }
0x150: {  	s1 =	ssub.s32 @!p0 $0x0, s1;
	[sflag:s0] =	ssyncset.done @!p0 $0x0  }
0x151: {  	[sflag:s0] =	ssyncadd.s32 @!p0 s1  }
0x152: {  	[bflag:$0x3] =	sbarrier.arrive $0xFFFF  }
0x153: {  	_ =	shalt  }

</sc_bundles>
